<compile_context>
chip_gen: v7x
topology: tpu7x:2x2x1
jax: 0.10.2.dev20260603
libtpu: 0.0.44.dev20260713+nightly
codegen_flags: <defaults>
</compile_context>

<pallas_src>
import functools

import jax
import jax.numpy as jnp
from jax import lax
from jax.experimental import pallas as pl
from jax.experimental.pallas import tpu as pltpu
from jax.experimental.pallas import tpu_sc as plsc

N = 10000
NP = 10240
E = 320000
EP = 327680
IN_D = 128
HID = 64
OUT_D = 50
OUT_P = 64

NC = 2
NS = 16
NW = NC * NS
EPW = EP // NW
CH = 128
NCHUNK = EPW // CH
RPW = NP // NS
ROW_BLK = 1024
GRID = NP // ROW_BLK

_mesh = plsc.VectorSubcoreMesh(core_axis_name="c", subcore_axis_name="s")
_sc_params = pltpu.CompilerParams(use_tc_tiling_on_sc=False,
                                 needs_layout_passes=False)


def _zero_stage(stage, rows, width):
    z = jnp.zeros((16,), jnp.float32)

    def body(j, _):
        for k in range(width // 16):
            stage[j, k * 16:(k + 1) * 16] = z
        return 0

    lax.fori_loop(0, rows, body, 0)


@functools.partial(
    pl.kernel,
    out_type=jax.ShapeDtypeStruct((NC, NP), jnp.float32),
    mesh=_mesh,
    compiler_params=_sc_params,
    scratch_types=[
        pltpu.VMEM((EPW,), jnp.int32),
        pltpu.VMEM((NP,), jnp.float32),
        pltpu.VMEM((NS, RPW), jnp.float32),
        pltpu.VMEM_SHARED((NS, NP), jnp.float32),
    ],
)
def _deg_kernel(dst_hbm, out_hbm, didx, hist, red, smat):
    cid = lax.axis_index("c")
    sid = lax.axis_index("s")
    wid = sid * NC + cid

    pltpu.sync_copy(dst_hbm.at[wid], didx)

    z = jnp.zeros((16,), jnp.float32)

    def zbody(j, _):
        hist[pl.ds(j * 16, 16)] = z
        return 0

    lax.fori_loop(0, NP // 16, zbody, 0)

    one = jnp.ones((16,), jnp.float32)

    def hbody(t, _):
        idx = didx[pl.ds(t * 16, 16)]
        plsc.addupdate_scatter(hist, [idx], one)
        return 0

    lax.fori_loop(0, EPW // 16, hbody, 0)

    pltpu.sync_copy(hist, smat.at[sid])
    plsc.subcore_barrier()
    pltpu.sync_copy(smat.at[:, pl.ds(sid * RPW, RPW)], red)

    def rbody(t, _):
        acc = red[0, pl.ds(t * 16, 16)]
        for r in range(1, NS):
            acc = acc + red[r, pl.ds(t * 16, 16)]
        red[0, pl.ds(t * 16, 16)] = acc
        return 0

    lax.fori_loop(0, RPW // 16, rbody, 0)
    pltpu.sync_copy(red.at[0], out_hbm.at[cid, pl.ds(sid * RPW, RPW)])


def _make_agg(D):
    @functools.partial(
        pl.kernel,
        out_type=jax.ShapeDtypeStruct((NC, NP, D), jnp.float32),
        mesh=_mesh,
        compiler_params=_sc_params,
        scratch_types=[
            pltpu.VMEM((NCHUNK, CH), jnp.int32),
            pltpu.VMEM((NCHUNK, CH), jnp.int32),
            pltpu.VMEM((2, CH, D), jnp.float32),
            pltpu.VMEM((RPW, D), jnp.float32),
            pltpu.VMEM_SHARED((NP, D), jnp.float32),
            pltpu.SemaphoreType.DMA,
            pltpu.SemaphoreType.DMA,
        ],
    )
    def agg(u_hbm, src_hbm, dst_hbm, out_hbm, sidx, didx, rows, stage, acc,
            gsem, ssem):
        cid = lax.axis_index("c")
        sid = lax.axis_index("s")
        wid = sid * NC + cid

        _zero_stage(stage, RPW, D)
        pltpu.sync_copy(stage, acc.at[pl.ds(sid * RPW, RPW)])
        pltpu.sync_copy(src_hbm.at[wid], sidx)
        pltpu.sync_copy(dst_hbm.at[wid], didx)
        plsc.subcore_barrier()

        pltpu.async_copy(u_hbm.at[sidx.at[0]], rows.at[0], gsem)

        def body(i, _):
            b = lax.rem(i, 2)
            pltpu.make_async_copy(u_hbm.at[sidx.at[i]], rows.at[b], gsem).wait()

            @pl.when(i > 0)
            def _():
                pltpu.make_async_copy(rows.at[1 - b],
                                      acc.at[didx.at[i - 1]], ssem).wait()

            @pl.when(i < NCHUNK - 1)
            def _():
                pltpu.async_copy(u_hbm.at[sidx.at[i + 1]], rows.at[1 - b], gsem)

            pltpu.async_copy(rows.at[b], acc.at[didx.at[i]], ssem, add=True)
            return 0

        lax.fori_loop(0, NCHUNK, body, 0)
        pltpu.make_async_copy(rows.at[lax.rem(NCHUNK - 1, 2)],
                              acc.at[didx.at[NCHUNK - 1]], ssem).wait()
        plsc.subcore_barrier()
        pltpu.sync_copy(acc.at[pl.ds(sid * RPW, RPW)],
                        out_hbm.at[cid, pl.ds(sid * RPW, RPW)])

    return agg


_agg64 = _make_agg(HID)


def _dinv_block(degp_ref):
    deg = 1.0 + degp_ref[:, 0:1] + degp_ref[:, 1:2]
    return lax.rsqrt(deg)


def _mm1_body(x_ref, w_ref, degp_ref, u_ref):
    dinv = _dinv_block(degp_ref)
    u_ref[...] = jnp.dot(x_ref[...], w_ref[...],
                         preferred_element_type=jnp.float32) * dinv


def _mm2_body(aggp_ref, u1_ref, degp_ref, b1_ref, w2_ref, u2_ref):
    dinv = _dinv_block(degp_ref)
    tot = aggp_ref[0] + aggp_ref[1] + u1_ref[...]
    h = jnp.maximum(tot * dinv + b1_ref[...], 0.0)
    u2_ref[...] = jnp.dot(h, w2_ref[...],
                          preferred_element_type=jnp.float32) * dinv


def _fin_body(aggp_ref, u2_ref, degp_ref, b2_ref, o_ref):
    dinv = _dinv_block(degp_ref)
    o_ref[...] = (aggp_ref[0] + aggp_ref[1] + u2_ref[...]) * dinv + b2_ref[...]


def _degp_spec():
    return pl.BlockSpec((ROW_BLK, NC), lambda i: (i, 0))


def _mm1(x, W1, degp):
    return pl.pallas_call(
        _mm1_body,
        grid=(GRID,),
        in_specs=[
            pl.BlockSpec((ROW_BLK, IN_D), lambda i: (i, 0)),
            pl.BlockSpec((IN_D, HID), lambda i: (0, 0)),
            _degp_spec(),
        ],
        out_specs=pl.BlockSpec((ROW_BLK, HID), lambda i: (i, 0)),
        out_shape=jax.ShapeDtypeStruct((NP, HID), jnp.float32),
    )(x, W1, degp)


def _mm2(aggp, u1, degp, b1, W2p):
    return pl.pallas_call(
        _mm2_body,
        grid=(GRID,),
        in_specs=[
            pl.BlockSpec((NC, ROW_BLK, HID), lambda i: (0, i, 0)),
            pl.BlockSpec((ROW_BLK, HID), lambda i: (i, 0)),
            _degp_spec(),
            pl.BlockSpec((1, HID), lambda i: (0, 0)),
            pl.BlockSpec((HID, OUT_P), lambda i: (0, 0)),
        ],
        out_specs=pl.BlockSpec((ROW_BLK, OUT_P), lambda i: (i, 0)),
        out_shape=jax.ShapeDtypeStruct((NP, OUT_P), jnp.float32),
    )(aggp, u1, degp, b1, W2p)


def _fin(aggp, u2, degp, b2p):
    return pl.pallas_call(
        _fin_body,
        grid=(GRID,),
        in_specs=[
            pl.BlockSpec((NC, ROW_BLK, OUT_P), lambda i: (0, i, 0)),
            pl.BlockSpec((ROW_BLK, OUT_P), lambda i: (i, 0)),
            _degp_spec(),
            pl.BlockSpec((1, OUT_P), lambda i: (0, 0)),
        ],
        out_specs=pl.BlockSpec((ROW_BLK, OUT_P), lambda i: (i, 0)),
        out_shape=jax.ShapeDtypeStruct((NP, OUT_P), jnp.float32),
    )(aggp, u2, degp, b2p)


def kernel(node_features, edge_index, W1, b1, W2, b2):
    pad_idx = jnp.full((EP - E,), NP - 1, jnp.int32)
    src = jnp.concatenate([edge_index[0].astype(jnp.int32), pad_idx])
    dst = jnp.concatenate([edge_index[1].astype(jnp.int32), pad_idx])
    src = src.reshape(NW, NCHUNK, CH)
    dst = dst.reshape(NW, NCHUNK, CH)
    xp = jnp.pad(node_features, ((0, NP - N), (0, 0)))

    degp = _deg_kernel(dst.reshape(NW, EPW)).T
    u1 = _mm1(xp, W1, degp)
    agg1 = _agg64(u1, src, dst)

    W2p = jnp.zeros((HID, OUT_P), jnp.float32).at[:, :OUT_D].set(W2)
    b2p = jnp.zeros((OUT_P,), jnp.float32).at[:OUT_D].set(b2)

    u2 = _mm2(agg1, u1, degp, b1.reshape(1, HID), W2p)
    agg2 = _agg64(u2, src, dst)
    out = _fin(agg2, u2, degp, b2p.reshape(1, OUT_P))
    return out[:N, :OUT_D]

# --- scband reference (transcript-rebuilt; emitter-appended) ---
"""Pipeline reference for scband-encoder-82566451298883 (READ-ONLY COPY).

The authoritative reference and input builder live on the scoring server;
editing this copy changes nothing except your own understanding.
"""

import jax, jax.numpy as jnp
import numpy as np

N_NODES = 10000
N_EDGES = 320000
IN_DIM = 128
HIDDEN_DIM = 64
OUT_DIM = 50


def gcn_conv(x, edge_index, W, b):
    n = x.shape[0]
    src = edge_index[0]
    dst = edge_index[1]
    # add self-loops (GCNConv default)
    loop = jnp.arange(n, dtype=src.dtype)
    src = jnp.concatenate([src, loop])
    dst = jnp.concatenate([dst, loop])
    # symmetric normalization D^{-1/2} (A+I) D^{-1/2}
    deg = jnp.zeros((n,), dtype=x.dtype).at[dst].add(1.0)
    dinv = jnp.where(deg > 0, jax.lax.rsqrt(deg), 0.0)
    norm = dinv[src] * dinv[dst]
    # linear transform first (as in PyG GCNConv), then propagate
    msg = x @ W
    gathered = jnp.take(msg, src, axis=0) * norm[:, None]
    out = jax.ops.segment_sum(gathered, dst, num_segments=n)
    return out + b


def setup_inputs(seed: int = 0) -> dict:
    key = jax.random.key(seed)
    k1, k2, k3, k4, k5, k6 = jax.random.split(key, 6)
    node_features = jax.random.normal(k1, (N_NODES, IN_DIM), dtype=jnp.float32)
    edge_index = jax.random.randint(k2, (2, N_EDGES), 0, N_NODES, dtype=jnp.int64)
    s1 = 1.0 / np.sqrt(IN_DIM)
    s2 = 1.0 / np.sqrt(HIDDEN_DIM)
    W1 = jax.random.uniform(k3, (IN_DIM, HIDDEN_DIM), dtype=jnp.float32, minval=-s1, maxval=s1)
    b1 = jax.random.uniform(k4, (HIDDEN_DIM,), dtype=jnp.float32, minval=-s1, maxval=s1)
    W2 = jax.random.uniform(k5, (HIDDEN_DIM, OUT_DIM), dtype=jnp.float32, minval=-s2, maxval=s2)
    b2 = jax.random.uniform(k6, (OUT_DIM,), dtype=jnp.float32, minval=-s2, maxval=s2)
    return {"node_features": node_features, "edge_index": edge_index, "W1": W1, "b1": b1, "W2": W2, "b2": b2}


def reference(node_features, edge_index, W1, b1, W2, b2):
    h = gcn_conv(node_features, edge_index, W1, b1)
    h = jax.nn.relu(h)
    h = gcn_conv(h, edge_index, W2, b2)
    return h

if __name__ == "__main__":
    import jax
    _d = setup_inputs()
    print(jax.jit(kernel)(*tuple(_d.values())))

</pallas_src>

<mosaic_0001>
#map = affine_map<(d0, d1) -> (0, 0)>
#map1 = affine_map<(d0, d1) -> (0, 0, 0)>
module attributes {stable_mosaic.version = 14 : i64} {
  func.func @agg(%arg0: i32, %arg1: i32, %arg2: memref<10240x64xf32, #tpu.memory_space<hbm>>, %arg3: memref<32x80x128xi32, #tpu.memory_space<hbm>>, %arg4: memref<32x80x128xi32, #tpu.memory_space<hbm>>, %arg5: memref<2x10240x64xf32, #tpu.memory_space<hbm>>, %arg6: memref<80x128xi32, #tpu.memory_space<vmem>>, %arg7: memref<80x128xi32, #tpu.memory_space<vmem>>, %arg8: memref<2x128x64xf32, #tpu.memory_space<vmem>>, %arg9: memref<640x64xf32, #tpu.memory_space<vmem>>, %arg10: memref<10240x64xf32, #tpu.memory_space<vmem_shared>>, %arg11: memref<!tpu.dma_semaphore, #tpu.memory_space<semaphore_mem>>, %arg12: memref<!tpu.dma_semaphore, #tpu.memory_space<semaphore_mem>>) attributes {dimension_semantics = [#tpu.dimension_semantics<core_parallel>, #tpu.dimension_semantics<subcore_parallel>], iteration_bounds = array<i64: 2, 16>, scalar_prefetch = 0 : i64, scratch_operands = 7 : i64, tpu.core_type = #tpu.core_type<sc_vector_subcore>, window_params = [{transform_indices = #map}, {transform_indices = #map1}, {transform_indices = #map1}, {transform_indices = #map1}]} {
    %mul3A = arith.constant 2 : i32
    %mul3A_0 = arith.muli %arg1, %mul3A : i32
    %add3A = arith.addi %mul3A_0, %arg0 : i32
    %broadcast_in_dim3A = arith.constant 0.000000e+00 : f32
    %broadcast_in_dim3A_1 = vector.broadcast %broadcast_in_dim3A : f32 to vector<16xf32>
    %scan3A = arith.constant 0 : i32
    %scan3A_2 = arith.constant 0 : i32
    %scan3A_3 = arith.constant 640 : i32
    %scan3A_4 = arith.addi %scan3A_2, %scan3A_3 : i32
    %scan3A_5 = arith.constant 1 : i32
    %scan3A_6 = scf.for %scan3A_45 = %scan3A_2 to %scan3A_4 step %scan3A_5 iter_args(%scan3A_46 = %scan3A) -> (i32)  : i32 {
      %swap3A = arith.index_cast %scan3A_45 : i32 to index
      %swap3A_47 = arith.constant 0 : index
      %swap3A_48 = tpu.vector_load %arg9[%swap3A, %swap3A_47] {strides = array<i32>} : memref<640x64xf32, #tpu.memory_space<vmem>>, vector<16xf32>,
      tpu.vector_store %arg9[%swap3A, %swap3A_47], %broadcast_in_dim3A_1 {strides = array<i32>} : memref<640x64xf32, #tpu.memory_space<vmem>>, vector<16xf32>,
      %swap3A_49 = arith.index_cast %scan3A_45 : i32 to index
      %swap3A_50 = arith.constant 16 : index
      %swap3A_51 = tpu.vector_load %arg9[%swap3A_49, %swap3A_50] {strides = array<i32>} : memref<640x64xf32, #tpu.memory_space<vmem>>, vector<16xf32>,
      tpu.vector_store %arg9[%swap3A_49, %swap3A_50], %broadcast_in_dim3A_1 {strides = array<i32>} : memref<640x64xf32, #tpu.memory_space<vmem>>, vector<16xf32>,
      %swap3A_52 = arith.index_cast %scan3A_45 : i32 to index
      %swap3A_53 = arith.constant 32 : index
      %swap3A_54 = tpu.vector_load %arg9[%swap3A_52, %swap3A_53] {strides = array<i32>} : memref<640x64xf32, #tpu.memory_space<vmem>>, vector<16xf32>,
      tpu.vector_store %arg9[%swap3A_52, %swap3A_53], %broadcast_in_dim3A_1 {strides = array<i32>} : memref<640x64xf32, #tpu.memory_space<vmem>>, vector<16xf32>,
      %swap3A_55 = arith.index_cast %scan3A_45 : i32 to index
      %swap3A_56 = arith.constant 48 : index
      %swap3A_57 = tpu.vector_load %arg9[%swap3A_55, %swap3A_56] {strides = array<i32>} : memref<640x64xf32, #tpu.memory_space<vmem>>, vector<16xf32>,
      tpu.vector_store %arg9[%swap3A_55, %swap3A_56], %broadcast_in_dim3A_1 {strides = array<i32>} : memref<640x64xf32, #tpu.memory_space<vmem>>, vector<16xf32>,
      %scan3A_58 = arith.constant 0 : i32
      scf.yield %scan3A_58 : i32
    }
    %scan3A_7 = arith.constant 640 : i32
    %mul3A_8 = arith.constant 640 : i32
    %mul3A_9 = arith.muli %arg1, %mul3A_8 : i32
    "tpu.region"() ({
      %run_scoped3A = tpu.sem_alloc : memref<!tpu.dma_semaphore, #tpu.memory_space<semaphore_mem>>
      %dma_start3A_45 = arith.constant 0 : i32
      %dma_start3A_46 = tpu.memref_slice %arg10[%mul3A_9, %dma_start3A_45] : memref<10240x64xf32, #tpu.memory_space<vmem_shared>> -> memref<640x64xf32, #tpu.memory_space<vmem_shared>>
      %dma_start3A_47 = arith.constant 0 : i32
      %dma_start3A_48 = tpu.memref_slice %arg10[%mul3A_9, %dma_start3A_47] : memref<10240x64xf32, #tpu.memory_space<vmem_shared>> -> memref<640x64xf32, #tpu.memory_space<vmem_shared>>
      tpu.enqueue_dma source(%arg9 : memref<640x64xf32, #tpu.memory_space<vmem>>) target(%dma_start3A_48 : memref<640x64xf32, #tpu.memory_space<vmem_shared>>) target_semaphore(%run_scoped3A : memref<!tpu.dma_semaphore, #tpu.memory_space<semaphore_mem>>)
      %dma_wait3A_49 = arith.constant 0 : i32
      %dma_wait3A_50 = tpu.memref_slice %arg10[%mul3A_9, %dma_wait3A_49] : memref<10240x64xf32, #tpu.memory_space<vmem_shared>> -> memref<640x64xf32, #tpu.memory_space<vmem_shared>>
      %dma_wait3A_51 = arith.constant 0 : i32
      %dma_wait3A_52 = tpu.memref_slice %arg10[%mul3A_9, %dma_wait3A_51] : memref<10240x64xf32, #tpu.memory_space<vmem_shared>> -> memref<640x64xf32, #tpu.memory_space<vmem_shared>>
      tpu.wait_dma2 semaphore(%run_scoped3A : memref<!tpu.dma_semaphore, #tpu.memory_space<semaphore_mem>>) src(%arg9 : memref<640x64xf32, #tpu.memory_space<vmem>>) dst(%dma_wait3A_52 : memref<640x64xf32, #tpu.memory_space<vmem_shared>>)
      tpu.yield
    }) : () -> ()
    "tpu.region"() ({
      %run_scoped3A = tpu.sem_alloc : memref<!tpu.dma_semaphore, #tpu.memory_space<semaphore_mem>>
      %dma_start3A_45 = arith.constant 0 : i32
      %dma_start3A_46 = arith.constant 0 : i32
      %dma_start3A_47 = tpu.memref_slice %arg3[%add3A, %dma_start3A_45, %dma_start3A_46] : memref<32x80x128xi32, #tpu.memory_space<hbm>> -> memref<1x80x128xi32, #tpu.memory_space<hbm>>
      %dma_start3A_48 = tpu.memref_squeeze %dma_start3A_47 : memref<1x80x128xi32, #tpu.memory_space<hbm>> -> memref<80x128xi32, #tpu.memory_space<hbm>>
      %dma_start3A_49 = arith.constant 0 : i32
      %dma_start3A_50 = arith.constant 0 : i32
      %dma_start3A_51 = tpu.memref_slice %arg3[%add3A, %dma_start3A_49, %dma_start3A_50] : memref<32x80x128xi32, #tpu.memory_space<hbm>> -> memref<1x80x128xi32, #tpu.memory_space<hbm>>
      %dma_start3A_52 = tpu.memref_squeeze %dma_start3A_51 : memref<1x80x128xi32, #tpu.memory_space<hbm>> -> memref<80x128xi32, #tpu.memory_space<hbm>>
      tpu.enqueue_dma source(%dma_start3A_52 : memref<80x128xi32, #tpu.memory_space<hbm>>) target(%arg6 : memref<80x128xi32, #tpu.memory_space<vmem>>) target_semaphore(%run_scoped3A : memref<!tpu.dma_semaphore, #tpu.memory_space<semaphore_mem>>)
      %dma_wait3A_53 = arith.constant 0 : i32
      %dma_wait3A_54 = arith.constant 0 : i32
      %dma_wait3A_55 = tpu.memref_slice %arg3[%add3A, %dma_wait3A_53, %dma_wait3A_54] : memref<32x80x128xi32, #tpu.memory_space<hbm>> -> memref<1x80x128xi32, #tpu.memory_space<hbm>>
      %dma_wait3A_56 = tpu.memref_squeeze %dma_wait3A_55 : memref<1x80x128xi32, #tpu.memory_space<hbm>> -> memref<80x128xi32, #tpu.memory_space<hbm>>
      %dma_wait3A_57 = arith.constant 0 : i32
      %dma_wait3A_58 = arith.constant 0 : i32
      %dma_wait3A_59 = tpu.memref_slice %arg3[%add3A, %dma_wait3A_57, %dma_wait3A_58] : memref<32x80x128xi32, #tpu.memory_space<hbm>> -> memref<1x80x128xi32, #tpu.memory_space<hbm>>
      %dma_wait3A_60 = tpu.memref_squeeze %dma_wait3A_59 : memref<1x80x128xi32, #tpu.memory_space<hbm>> -> memref<80x128xi32, #tpu.memory_space<hbm>>
      tpu.wait_dma2 semaphore(%run_scoped3A : memref<!tpu.dma_semaphore, #tpu.memory_space<semaphore_mem>>) src(%dma_wait3A_60 : memref<80x128xi32, #tpu.memory_space<hbm>>) dst(%arg6 : memref<80x128xi32, #tpu.memory_space<vmem>>)
      tpu.yield
    }) : () -> ()
    "tpu.region"() ({
      %run_scoped3A = tpu.sem_alloc : memref<!tpu.dma_semaphore, #tpu.memory_space<semaphore_mem>>
      %dma_start3A_45 = arith.constant 0 : i32
      %dma_start3A_46 = arith.constant 0 : i32
      %dma_start3A_47 = tpu.memref_slice %arg4[%add3A, %dma_start3A_45, %dma_start3A_46] : memref<32x80x128xi32, #tpu.memory_space<hbm>> -> memref<1x80x128xi32, #tpu.memory_space<hbm>>
      %dma_start3A_48 = tpu.memref_squeeze %dma_start3A_47 : memref<1x80x128xi32, #tpu.memory_space<hbm>> -> memref<80x128xi32, #tpu.memory_space<hbm>>
      %dma_start3A_49 = arith.constant 0 : i32
      %dma_start3A_50 = arith.constant 0 : i32
      %dma_start3A_51 = tpu.memref_slice %arg4[%add3A, %dma_start3A_49, %dma_start3A_50] : memref<32x80x128xi32, #tpu.memory_space<hbm>> -> memref<1x80x128xi32, #tpu.memory_space<hbm>>
      %dma_start3A_52 = tpu.memref_squeeze %dma_start3A_51 : memref<1x80x128xi32, #tpu.memory_space<hbm>> -> memref<80x128xi32, #tpu.memory_space<hbm>>
      tpu.enqueue_dma source(%dma_start3A_52 : memref<80x128xi32, #tpu.memory_space<hbm>>) target(%arg7 : memref<80x128xi32, #tpu.memory_space<vmem>>) target_semaphore(%run_scoped3A : memref<!tpu.dma_semaphore, #tpu.memory_space<semaphore_mem>>)
      %dma_wait3A_53 = arith.constant 0 : i32
      %dma_wait3A_54 = arith.constant 0 : i32
      %dma_wait3A_55 = tpu.memref_slice %arg4[%add3A, %dma_wait3A_53, %dma_wait3A_54] : memref<32x80x128xi32, #tpu.memory_space<hbm>> -> memref<1x80x128xi32, #tpu.memory_space<hbm>>
      %dma_wait3A_56 = tpu.memref_squeeze %dma_wait3A_55 : memref<1x80x128xi32, #tpu.memory_space<hbm>> -> memref<80x128xi32, #tpu.memory_space<hbm>>
      %dma_wait3A_57 = arith.constant 0 : i32
      %dma_wait3A_58 = arith.constant 0 : i32
      %dma_wait3A_59 = tpu.memref_slice %arg4[%add3A, %dma_wait3A_57, %dma_wait3A_58] : memref<32x80x128xi32, #tpu.memory_space<hbm>> -> memref<1x80x128xi32, #tpu.memory_space<hbm>>
      %dma_wait3A_60 = tpu.memref_squeeze %dma_wait3A_59 : memref<1x80x128xi32, #tpu.memory_space<hbm>> -> memref<80x128xi32, #tpu.memory_space<hbm>>
      tpu.wait_dma2 semaphore(%run_scoped3A : memref<!tpu.dma_semaphore, #tpu.memory_space<semaphore_mem>>) src(%dma_wait3A_60 : memref<80x128xi32, #tpu.memory_space<hbm>>) dst(%arg7 : memref<80x128xi32, #tpu.memory_space<vmem>>)
      tpu.yield
    }) : () -> ()
    %barrier3A = arith.constant 0 : index
    tpu.barrier barrier_id(%barrier3A)
    %dma_start3A = arith.constant 0 : i32
    %dma_start3A_10 = arith.constant 0 : i32
    %dma_start3A_11 = arith.constant 0 : i32
    %dma_start3A_12 = arith.constant 0 : i32
    %dma_start3A_13 = tpu.memref_slice %arg8[%dma_start3A_10, %dma_start3A_11, %dma_start3A_12] : memref<2x128x64xf32, #tpu.memory_space<vmem>> -> memref<1x128x64xf32, #tpu.memory_space<vmem>>
    %dma_start3A_14 = tpu.memref_squeeze %dma_start3A_13 : memref<1x128x64xf32, #tpu.memory_space<vmem>> -> memref<128x64xf32, #tpu.memory_space<vmem>>
    %dma_start3A_15 = arith.constant 0 : i32
    %dma_start3A_16 = tpu.memref_slice %arg6[%dma_start3A, %dma_start3A_15] : memref<80x128xi32, #tpu.memory_space<vmem>> -> memref<1x128xi32, #tpu.memory_space<vmem>>
    %dma_start3A_17 = tpu.memref_squeeze %dma_start3A_16 : memref<1x128xi32, #tpu.memory_space<vmem>> -> memref<128xi32, #tpu.memory_space<vmem>>
    %dma_start3A_18 = arith.constant 0 : i32
    %dma_start3A_19 = arith.constant 0 : i32
    %dma_start3A_20 = tpu.memref_slice %arg2[%dma_start3A_18, %dma_start3A_19] : memref<10240x64xf32, #tpu.memory_space<hbm>> -> memref<10240x64xf32, #tpu.memory_space<hbm>>
    tpu.enqueue_indirect_dma source(%dma_start3A_20 : memref<10240x64xf32, #tpu.memory_space<hbm>>) target(%dma_start3A_14 : memref<128x64xf32, #tpu.memory_space<vmem>>) offsets(%dma_start3A_17 : memref<128xi32, #tpu.memory_space<vmem>>) semaphore(%arg11 : memref<!tpu.dma_semaphore, #tpu.memory_space<semaphore_mem>>)
    %scan3A_21 = arith.constant 0 : i32
    %scan3A_22 = arith.constant 0 : i32
    %scan3A_23 = arith.constant 80 : i32
    %scan3A_24 = arith.addi %scan3A_22, %scan3A_23 : i32
    %scan3A_25 = arith.constant 1 : i32
    %scan3A_26 = scf.for %scan3A_45 = %scan3A_22 to %scan3A_24 step %scan3A_25 iter_args(%scan3A_46 = %scan3A_21) -> (i32)  : i32 {
      %rem3A_47 = arith.constant 2 : i32
      %rem3A_48 = arith.remsi %scan3A_45, %rem3A_47 : i32
      %dma_wait3A_49 = arith.constant 0 : i32
      %dma_wait3A_50 = arith.constant 0 : i32
      %dma_wait3A_51 = tpu.memref_slice %arg8[%rem3A_48, %dma_wait3A_49, %dma_wait3A_50] : memref<2x128x64xf32, #tpu.memory_space<vmem>> -> memref<1x128x64xf32, #tpu.memory_space<vmem>>
      %dma_wait3A_52 = tpu.memref_squeeze %dma_wait3A_51 : memref<1x128x64xf32, #tpu.memory_space<vmem>> -> memref<128x64xf32, #tpu.memory_space<vmem>>
      %dma_wait3A_53 = arith.constant 0 : i32
      %dma_wait3A_54 = tpu.memref_slice %arg6[%scan3A_45, %dma_wait3A_53] : memref<80x128xi32, #tpu.memory_space<vmem>> -> memref<1x128xi32, #tpu.memory_space<vmem>>
      %dma_wait3A_55 = tpu.memref_squeeze %dma_wait3A_54 : memref<1x128xi32, #tpu.memory_space<vmem>> -> memref<128xi32, #tpu.memory_space<vmem>>
      %dma_wait3A_56 = arith.constant 0 : i32
      %dma_wait3A_57 = arith.constant 0 : i32
      %dma_wait3A_58 = tpu.memref_slice %arg2[%dma_wait3A_56, %dma_wait3A_57] : memref<10240x64xf32, #tpu.memory_space<hbm>> -> memref<10240x64xf32, #tpu.memory_space<hbm>>
      tpu.wait_indirect_dma semaphore(%arg11 : memref<!tpu.dma_semaphore, #tpu.memory_space<semaphore_mem>>) src(%dma_wait3A_58 : memref<10240x64xf32, #tpu.memory_space<hbm>>) dst(%dma_wait3A_52 : memref<128x64xf32, #tpu.memory_space<vmem>>)
      %gt3A = arith.constant 0 : i32
      %gt3A_59 = arith.cmpi sgt, %scan3A_45, %gt3A : i32
      %convert_element_type3A = arith.extui %gt3A_59 : i1 to i32
      %cond3A = arith.constant 0 : i32
      %cond3A_60 = arith.cmpi ne, %convert_element_type3A, %cond3A : i32
      scf.if %cond3A_60 {
        %sub3A = arith.constant 1 : i32
        %sub3A_76 = arith.subi %sub3A, %rem3A_48 : i32
        %sub3A_77 = arith.constant 1 : i32
        %sub3A_78 = arith.subi %scan3A_45, %sub3A_77 : i32
        %dma_wait3A_79 = arith.constant 0 : i32
        %dma_wait3A_80 = arith.constant 0 : i32
        %dma_wait3A_81 = tpu.memref_slice %arg8[%sub3A_76, %dma_wait3A_79, %dma_wait3A_80] : memref<2x128x64xf32, #tpu.memory_space<vmem>> -> memref<1x128x64xf32, #tpu.memory_space<vmem>>
        %dma_wait3A_82 = tpu.memref_squeeze %dma_wait3A_81 : memref<1x128x64xf32, #tpu.memory_space<vmem>> -> memref<128x64xf32, #tpu.memory_space<vmem>>
        %dma_wait3A_83 = arith.constant 0 : i32
        %dma_wait3A_84 = tpu.memref_slice %arg7[%sub3A_78, %dma_wait3A_83] : memref<80x128xi32, #tpu.memory_space<vmem>> -> memref<1x128xi32, #tpu.memory_space<vmem>>
        %dma_wait3A_85 = tpu.memref_squeeze %dma_wait3A_84 : memref<1x128xi32, #tpu.memory_space<vmem>> -> memref<128xi32, #tpu.memory_space<vmem>>
        %dma_wait3A_86 = arith.constant 0 : i32
        %dma_wait3A_87 = arith.constant 0 : i32
        %dma_wait3A_88 = tpu.memref_slice %arg10[%dma_wait3A_86, %dma_wait3A_87] : memref<10240x64xf32, #tpu.memory_space<vmem_shared>> -> memref<10240x64xf32, #tpu.memory_space<vmem_shared>>
        tpu.wait_indirect_dma semaphore(%arg12 : memref<!tpu.dma_semaphore, #tpu.memory_space<semaphore_mem>>) src(%dma_wait3A_82 : memref<128x64xf32, #tpu.memory_space<vmem>>) dst(%dma_wait3A_88 : memref<10240x64xf32, #tpu.memory_space<vmem_shared>>)
      } else {
      }
      %lt3A = arith.constant 79 : i32
      %lt3A_61 = arith.cmpi slt, %scan3A_45, %lt3A : i32
      %convert_element_type3A_62 = arith.extui %lt3A_61 : i1 to i32
      %cond3A_63 = arith.constant 0 : i32
      %cond3A_64 = arith.cmpi ne, %convert_element_type3A_62, %cond3A_63 : i32
      scf.if %cond3A_64 {
        %add3A_76 = arith.constant 1 : i32
        %add3A_77 = arith.addi %scan3A_45, %add3A_76 : i32
        %sub3A = arith.constant 1 : i32
        %sub3A_78 = arith.subi %sub3A, %rem3A_48 : i32
        %dma_start3A_79 = arith.constant 0 : i32
        %dma_start3A_80 = arith.constant 0 : i32
        %dma_start3A_81 = tpu.memref_slice %arg8[%sub3A_78, %dma_start3A_79, %dma_start3A_80] : memref<2x128x64xf32, #tpu.memory_space<vmem>> -> memref<1x128x64xf32, #tpu.memory_space<vmem>>
        %dma_start3A_82 = tpu.memref_squeeze %dma_start3A_81 : memref<1x128x64xf32, #tpu.memory_space<vmem>> -> memref<128x64xf32, #tpu.memory_space<vmem>>
        %dma_start3A_83 = arith.constant 0 : i32
        %dma_start3A_84 = tpu.memref_slice %arg6[%add3A_77, %dma_start3A_83] : memref<80x128xi32, #tpu.memory_space<vmem>> -> memref<1x128xi32, #tpu.memory_space<vmem>>
        %dma_start3A_85 = tpu.memref_squeeze %dma_start3A_84 : memref<1x128xi32, #tpu.memory_space<vmem>> -> memref<128xi32, #tpu.memory_space<vmem>>
        %dma_start3A_86 = arith.constant 0 : i32
        %dma_start3A_87 = arith.constant 0 : i32
        %dma_start3A_88 = tpu.memref_slice %arg2[%dma_start3A_86, %dma_start3A_87] : memref<10240x64xf32, #tpu.memory_space<hbm>> -> memref<10240x64xf32, #tpu.memory_space<hbm>>
        tpu.enqueue_indirect_dma source(%dma_start3A_88 : memref<10240x64xf32, #tpu.memory_space<hbm>>) target(%dma_start3A_82 : memref<128x64xf32, #tpu.memory_space<vmem>>) offsets(%dma_start3A_85 : memref<128xi32, #tpu.memory_space<vmem>>) semaphore(%arg11 : memref<!tpu.dma_semaphore, #tpu.memory_space<semaphore_mem>>)
      } else {
      }
      %dma_start3A_65 = arith.constant 0 : i32
      %dma_start3A_66 = arith.constant 0 : i32
      %dma_start3A_67 = tpu.memref_slice %arg8[%rem3A_48, %dma_start3A_65, %dma_start3A_66] : memref<2x128x64xf32, #tpu.memory_space<vmem>> -> memref<1x128x64xf32, #tpu.memory_space<vmem>>
      %dma_start3A_68 = tpu.memref_squeeze %dma_start3A_67 : memref<1x128x64xf32, #tpu.memory_space<vmem>> -> memref<128x64xf32, #tpu.memory_space<vmem>>
      %dma_start3A_69 = arith.constant 0 : i32
      %dma_start3A_70 = tpu.memref_slice %arg7[%scan3A_45, %dma_start3A_69] : memref<80x128xi32, #tpu.memory_space<vmem>> -> memref<1x128xi32, #tpu.memory_space<vmem>>
      %dma_start3A_71 = tpu.memref_squeeze %dma_start3A_70 : memref<1x128xi32, #tpu.memory_space<vmem>> -> memref<128xi32, #tpu.memory_space<vmem>>
      %dma_start3A_72 = arith.constant 0 : i32
      %dma_start3A_73 = arith.constant 0 : i32
      %dma_start3A_74 = tpu.memref_slice %arg10[%dma_start3A_72, %dma_start3A_73] : memref<10240x64xf32, #tpu.memory_space<vmem_shared>> -> memref<10240x64xf32, #tpu.memory_space<vmem_shared>>
      tpu.enqueue_indirect_dma source(%dma_start3A_68 : memref<128x64xf32, #tpu.memory_space<vmem>>) target(%dma_start3A_74 : memref<10240x64xf32, #tpu.memory_space<vmem_shared>>) offsets(%dma_start3A_71 : memref<128xi32, #tpu.memory_space<vmem>>) semaphore(%arg12 : memref<!tpu.dma_semaphore, #tpu.memory_space<semaphore_mem>>) {add = true}
      %scan3A_75 = arith.constant 0 : i32
      scf.yield %scan3A_75 : i32
    }
    %scan3A_27 = arith.constant 80 : i32
    %rem3A = arith.constant 79 : i32
    %rem3A_28 = arith.constant 2 : i32
    %rem3A_29 = arith.remsi %rem3A, %rem3A_28 : i32
    %dma_wait3A = arith.constant 79 : i32
    %dma_wait3A_30 = arith.constant 0 : i32
    %dma_wait3A_31 = arith.constant 0 : i32
    %dma_wait3A_32 = tpu.memref_slice %arg8[%rem3A_29, %dma_wait3A_30, %dma_wait3A_31] : memref<2x128x64xf32, #tpu.memory_space<vmem>> -> memref<1x128x64xf32, #tpu.memory_space<vmem>>
    %dma_wait3A_33 = tpu.memref_squeeze %dma_wait3A_32 : memref<1x128x64xf32, #tpu.memory_space<vmem>> -> memref<128x64xf32, #tpu.memory_space<vmem>>
    %dma_wait3A_34 = arith.constant 0 : i32
    %dma_wait3A_35 = tpu.memref_slice %arg7[%dma_wait3A, %dma_wait3A_34] : memref<80x128xi32, #tpu.memory_space<vmem>> -> memref<1x128xi32, #tpu.memory_space<vmem>>
    %dma_wait3A_36 = tpu.memref_squeeze %dma_wait3A_35 : memref<1x128xi32, #tpu.memory_space<vmem>> -> memref<128xi32, #tpu.memory_space<vmem>>
    %dma_wait3A_37 = arith.constant 0 : i32
    %dma_wait3A_38 = arith.constant 0 : i32
    %dma_wait3A_39 = tpu.memref_slice %arg10[%dma_wait3A_37, %dma_wait3A_38] : memref<10240x64xf32, #tpu.memory_space<vmem_shared>> -> memref<10240x64xf32, #tpu.memory_space<vmem_shared>>
    tpu.wait_indirect_dma semaphore(%arg12 : memref<!tpu.dma_semaphore, #tpu.memory_space<semaphore_mem>>) src(%dma_wait3A_33 : memref<128x64xf32, #tpu.memory_space<vmem>>) dst(%dma_wait3A_39 : memref<10240x64xf32, #tpu.memory_space<vmem_shared>>)
    %barrier3A_40 = arith.constant 0 : index
    tpu.barrier barrier_id(%barrier3A_40)
    %mul3A_41 = arith.constant 640 : i32
    %mul3A_42 = arith.muli %arg1, %mul3A_41 : i32
    %mul3A_43 = arith.constant 640 : i32
    %mul3A_44 = arith.muli %arg1, %mul3A_43 : i32
    "tpu.region"() ({
      %run_scoped3A = tpu.sem_alloc : memref<!tpu.dma_semaphore, #tpu.memory_space<semaphore_mem>>
      %dma_start3A_45 = arith.constant 0 : i32
      %dma_start3A_46 = tpu.memref_slice %arg5[%arg0, %mul3A_44, %dma_start3A_45] : memref<2x10240x64xf32, #tpu.memory_space<hbm>> -> memref<1x640x64xf32, #tpu.memory_space<hbm>>
      %dma_start3A_47 = tpu.memref_squeeze %dma_start3A_46 : memref<1x640x64xf32, #tpu.memory_space<hbm>> -> memref<640x64xf32, #tpu.memory_space<hbm>>
      %dma_start3A_48 = arith.constant 0 : i32
      %dma_start3A_49 = tpu.memref_slice %arg10[%mul3A_42, %dma_start3A_48] : memref<10240x64xf32, #tpu.memory_space<vmem_shared>> -> memref<640x64xf32, #tpu.memory_space<vmem_shared>>
      tpu.enqueue_dma source(%dma_start3A_49 : memref<640x64xf32, #tpu.memory_space<vmem_shared>>) target(%dma_start3A_47 : memref<640x64xf32, #tpu.memory_space<hbm>>) target_semaphore(%run_scoped3A : memref<!tpu.dma_semaphore, #tpu.memory_space<semaphore_mem>>)
      %dma_wait3A_50 = arith.constant 0 : i32
      %dma_wait3A_51 = tpu.memref_slice %arg5[%arg0, %mul3A_44, %dma_wait3A_50] : memref<2x10240x64xf32, #tpu.memory_space<hbm>> -> memref<1x640x64xf32, #tpu.memory_space<hbm>>
      %dma_wait3A_52 = tpu.memref_squeeze %dma_wait3A_51 : memref<1x640x64xf32, #tpu.memory_space<hbm>> -> memref<640x64xf32, #tpu.memory_space<hbm>>
      %dma_wait3A_53 = arith.constant 0 : i32
      %dma_wait3A_54 = tpu.memref_slice %arg10[%mul3A_42, %dma_wait3A_53] : memref<10240x64xf32, #tpu.memory_space<vmem_shared>> -> memref<640x64xf32, #tpu.memory_space<vmem_shared>>
      tpu.wait_dma2 semaphore(%run_scoped3A : memref<!tpu.dma_semaphore, #tpu.memory_space<semaphore_mem>>) src(%dma_wait3A_54 : memref<640x64xf32, #tpu.memory_space<vmem_shared>>) dst(%dma_wait3A_52 : memref<640x64xf32, #tpu.memory_space<hbm>>)
      tpu.yield
    }) : () -> ()
    return
  }
}

#map = affine_map<(d0, d1) -> (0, 0)>
module attributes {stable_mosaic.version = 14 : i64} {
  func.func @_deg_kernel(%arg0: i32, %arg1: i32, %arg2: memref<32x10240xi32, #tpu.memory_space<hbm>>, %arg3: memref<2x10240xf32, #tpu.memory_space<hbm>>, %arg4: memref<10240xi32, #tpu.memory_space<vmem>>, %arg5: memref<10240xf32, #tpu.memory_space<vmem>>, %arg6: memref<16x640xf32, #tpu.memory_space<vmem>>, %arg7: memref<16x10240xf32, #tpu.memory_space<vmem_shared>>) attributes {dimension_semantics = [#tpu.dimension_semantics<core_parallel>, #tpu.dimension_semantics<subcore_parallel>], iteration_bounds = array<i64: 2, 16>, scalar_prefetch = 0 : i64, scratch_operands = 4 : i64, tpu.core_type = #tpu.core_type<sc_vector_subcore>, window_params = [{transform_indices = #map}, {transform_indices = #map}]} {
    %mul3A = arith.constant 2 : i32
    %mul3A_0 = arith.muli %arg1, %mul3A : i32
    %add3A = arith.addi %mul3A_0, %arg0 : i32
    "tpu.region"() ({
      %run_scoped3A_28 = tpu.sem_alloc : memref<!tpu.dma_semaphore, #tpu.memory_space<semaphore_mem>>
      %dma_start3A = arith.constant 0 : i32
      %dma_start3A_29 = tpu.memref_slice %arg2[%add3A, %dma_start3A] : memref<32x10240xi32, #tpu.memory_space<hbm>> -> memref<1x10240xi32, #tpu.memory_space<hbm>>
      %dma_start3A_30 = tpu.memref_squeeze %dma_start3A_29 : memref<1x10240xi32, #tpu.memory_space<hbm>> -> memref<10240xi32, #tpu.memory_space<hbm>>
      %dma_start3A_31 = arith.constant 0 : i32
      %dma_start3A_32 = tpu.memref_slice %arg2[%add3A, %dma_start3A_31] : memref<32x10240xi32, #tpu.memory_space<hbm>> -> memref<1x10240xi32, #tpu.memory_space<hbm>>
      %dma_start3A_33 = tpu.memref_squeeze %dma_start3A_32 : memref<1x10240xi32, #tpu.memory_space<hbm>> -> memref<10240xi32, #tpu.memory_space<hbm>>
      tpu.enqueue_dma source(%dma_start3A_33 : memref<10240xi32, #tpu.memory_space<hbm>>) target(%arg4 : memref<10240xi32, #tpu.memory_space<vmem>>) target_semaphore(%run_scoped3A_28 : memref<!tpu.dma_semaphore, #tpu.memory_space<semaphore_mem>>)
      %dma_wait3A = arith.constant 0 : i32
      %dma_wait3A_34 = tpu.memref_slice %arg2[%add3A, %dma_wait3A] : memref<32x10240xi32, #tpu.memory_space<hbm>> -> memref<1x10240xi32, #tpu.memory_space<hbm>>
      %dma_wait3A_35 = tpu.memref_squeeze %dma_wait3A_34 : memref<1x10240xi32, #tpu.memory_space<hbm>> -> memref<10240xi32, #tpu.memory_space<hbm>>
      %dma_wait3A_36 = arith.constant 0 : i32
      %dma_wait3A_37 = tpu.memref_slice %arg2[%add3A, %dma_wait3A_36] : memref<32x10240xi32, #tpu.memory_space<hbm>> -> memref<1x10240xi32, #tpu.memory_space<hbm>>
      %dma_wait3A_38 = tpu.memref_squeeze %dma_wait3A_37 : memref<1x10240xi32, #tpu.memory_space<hbm>> -> memref<10240xi32, #tpu.memory_space<hbm>>
      tpu.wait_dma2 semaphore(%run_scoped3A_28 : memref<!tpu.dma_semaphore, #tpu.memory_space<semaphore_mem>>) src(%dma_wait3A_38 : memref<10240xi32, #tpu.memory_space<hbm>>) dst(%arg4 : memref<10240xi32, #tpu.memory_space<vmem>>)
      tpu.yield
    }) : () -> ()
    %broadcast_in_dim3A = arith.constant 0.000000e+00 : f32
    %broadcast_in_dim3A_1 = vector.broadcast %broadcast_in_dim3A : f32 to vector<16xf32>
    %scan3A = arith.constant 0 : i32
    %scan3A_2 = arith.constant 0 : i32
    %scan3A_3 = arith.constant 640 : i32
    %scan3A_4 = arith.addi %scan3A_2, %scan3A_3 : i32
    %scan3A_5 = arith.constant 1 : i32
    %scan3A_6 = scf.for %scan3A_28 = %scan3A_2 to %scan3A_4 step %scan3A_5 iter_args(%scan3A_29 = %scan3A) -> (i32)  : i32 {
      %mul3A_30 = arith.constant 16 : i32
      %mul3A_31 = arith.muli %scan3A_28, %mul3A_30 : i32
      %swap3A = arith.index_cast %mul3A_31 : i32 to index
      %swap3A_32 = tpu.vector_load %arg5[%swap3A] {strides = array<i32>} : memref<10240xf32, #tpu.memory_space<vmem>>, vector<16xf32>,
      tpu.vector_store %arg5[%swap3A], %broadcast_in_dim3A_1 {strides = array<i32>} : memref<10240xf32, #tpu.memory_space<vmem>>, vector<16xf32>,
      %scan3A_33 = arith.constant 0 : i32
      scf.yield %scan3A_33 : i32
    }
    %scan3A_7 = arith.constant 640 : i32
    %broadcast_in_dim3A_8 = arith.constant 1.000000e+00 : f32
    %broadcast_in_dim3A_9 = vector.broadcast %broadcast_in_dim3A_8 : f32 to vector<16xf32>
    %scan3A_10 = arith.constant 0 : i32
    %scan3A_11 = arith.constant 0 : i32
    %scan3A_12 = arith.constant 640 : i32
    %scan3A_13 = arith.addi %scan3A_11, %scan3A_12 : i32
    %scan3A_14 = arith.constant 1 : i32
    %scan3A_15 = scf.for %scan3A_28 = %scan3A_11 to %scan3A_13 step %scan3A_14 iter_args(%scan3A_29 = %scan3A_10) -> (i32)  : i32 {
      %mul3A_30 = arith.constant 16 : i32
      %mul3A_31 = arith.muli %scan3A_28, %mul3A_30 : i32
      %get3A = arith.index_cast %mul3A_31 : i32 to index
      %get3A_32 = tpu.vector_load %arg4[%get3A] {strides = array<i32>} : memref<10240xi32, #tpu.memory_space<vmem>>, vector<16xi32>,
      tpu.vector_store_idx %arg5[%get3A_32], %broadcast_in_dim3A_9 {add = true} : memref<10240xf32, #tpu.memory_space<vmem>>[vector<16xi32>], vector<16xf32>,
      %scan3A_33 = arith.constant 0 : i32
      scf.yield %scan3A_33 : i32
    }
    %scan3A_16 = arith.constant 640 : i32
    "tpu.region"() ({
      %run_scoped3A_28 = tpu.sem_alloc : memref<!tpu.dma_semaphore, #tpu.memory_space<semaphore_mem>>
      %dma_start3A = arith.constant 0 : i32
      %dma_start3A_29 = tpu.memref_slice %arg7[%arg1, %dma_start3A] : memref<16x10240xf32, #tpu.memory_space<vmem_shared>> -> memref<1x10240xf32, #tpu.memory_space<vmem_shared>>
      %dma_start3A_30 = tpu.memref_squeeze %dma_start3A_29 : memref<1x10240xf32, #tpu.memory_space<vmem_shared>> -> memref<10240xf32, #tpu.memory_space<vmem_shared>>
      %dma_start3A_31 = arith.constant 0 : i32
      %dma_start3A_32 = tpu.memref_slice %arg7[%arg1, %dma_start3A_31] : memref<16x10240xf32, #tpu.memory_space<vmem_shared>> -> memref<1x10240xf32, #tpu.memory_space<vmem_shared>>
      %dma_start3A_33 = tpu.memref_squeeze %dma_start3A_32 : memref<1x10240xf32, #tpu.memory_space<vmem_shared>> -> memref<10240xf32, #tpu.memory_space<vmem_shared>>
      tpu.enqueue_dma source(%arg5 : memref<10240xf32, #tpu.memory_space<vmem>>) target(%dma_start3A_33 : memref<10240xf32, #tpu.memory_space<vmem_shared>>) target_semaphore(%run_scoped3A_28 : memref<!tpu.dma_semaphore, #tpu.memory_space<semaphore_mem>>)
      %dma_wait3A = arith.constant 0 : i32
      %dma_wait3A_34 = tpu.memref_slice %arg7[%arg1, %dma_wait3A] : memref<16x10240xf32, #tpu.memory_space<vmem_shared>> -> memref<1x10240xf32, #tpu.memory_space<vmem_shared>>
      %dma_wait3A_35 = tpu.memref_squeeze %dma_wait3A_34 : memref<1x10240xf32, #tpu.memory_space<vmem_shared>> -> memref<10240xf32, #tpu.memory_space<vmem_shared>>
      %dma_wait3A_36 = arith.constant 0 : i32
      %dma_wait3A_37 = tpu.memref_slice %arg7[%arg1, %dma_wait3A_36] : memref<16x10240xf32, #tpu.memory_space<vmem_shared>> -> memref<1x10240xf32, #tpu.memory_space<vmem_shared>>
      %dma_wait3A_38 = tpu.memref_squeeze %dma_wait3A_37 : memref<1x10240xf32, #tpu.memory_space<vmem_shared>> -> memref<10240xf32, #tpu.memory_space<vmem_shared>>
      tpu.wait_dma2 semaphore(%run_scoped3A_28 : memref<!tpu.dma_semaphore, #tpu.memory_space<semaphore_mem>>) src(%arg5 : memref<10240xf32, #tpu.memory_space<vmem>>) dst(%dma_wait3A_38 : memref<10240xf32, #tpu.memory_space<vmem_shared>>)
      tpu.yield
    }) : () -> ()
    %barrier3A = arith.constant 0 : index
    tpu.barrier barrier_id(%barrier3A)
    %mul3A_17 = arith.constant 640 : i32
    %mul3A_18 = arith.muli %arg1, %mul3A_17 : i32
    "tpu.region"() ({
      %run_scoped3A_28 = tpu.sem_alloc : memref<!tpu.dma_semaphore, #tpu.memory_space<semaphore_mem>>
      %dma_start3A = arith.constant 0 : i32
      %dma_start3A_29 = tpu.memref_slice %arg7[%dma_start3A, %mul3A_18] : memref<16x10240xf32, #tpu.memory_space<vmem_shared>> -> memref<16x640xf32, #tpu.memory_space<vmem_shared>>
      %dma_start3A_30 = arith.constant 0 : i32
      %dma_start3A_31 = tpu.memref_slice %arg7[%dma_start3A_30, %mul3A_18] : memref<16x10240xf32, #tpu.memory_space<vmem_shared>> -> memref<16x640xf32, #tpu.memory_space<vmem_shared>>
      tpu.enqueue_dma source(%dma_start3A_31 : memref<16x640xf32, #tpu.memory_space<vmem_shared>>) target(%arg6 : memref<16x640xf32, #tpu.memory_space<vmem>>) target_semaphore(%run_scoped3A_28 : memref<!tpu.dma_semaphore, #tpu.memory_space<semaphore_mem>>)
      %dma_wait3A = arith.constant 0 : i32
      %dma_wait3A_32 = tpu.memref_slice %arg7[%dma_wait3A, %mul3A_18] : memref<16x10240xf32, #tpu.memory_space<vmem_shared>> -> memref<16x640xf32, #tpu.memory_space<vmem_shared>>
      %dma_wait3A_33 = arith.constant 0 : i32
      %dma_wait3A_34 = tpu.memref_slice %arg7[%dma_wait3A_33, %mul3A_18] : memref<16x10240xf32, #tpu.memory_space<vmem_shared>> -> memref<16x640xf32, #tpu.memory_space<vmem_shared>>
      tpu.wait_dma2 semaphore(%run_scoped3A_28 : memref<!tpu.dma_semaphore, #tpu.memory_space<semaphore_mem>>) src(%dma_wait3A_34 : memref<16x640xf32, #tpu.memory_space<vmem_shared>>) dst(%arg6 : memref<16x640xf32, #tpu.memory_space<vmem>>)
      tpu.yield
    }) : () -> ()
    %scan3A_19 = arith.constant 0 : i32
    %scan3A_20 = arith.constant 0 : i32
    %scan3A_21 = arith.constant 40 : i32
    %scan3A_22 = arith.addi %scan3A_20, %scan3A_21 : i32
    %scan3A_23 = arith.constant 1 : i32
    %scan3A_24 = scf.for %scan3A_28 = %scan3A_20 to %scan3A_22 step %scan3A_23 iter_args(%scan3A_29 = %scan3A_19) -> (i32)  : i32 {
      %mul3A_30 = arith.constant 16 : i32
      %mul3A_31 = arith.muli %scan3A_28, %mul3A_30 : i32
      %get3A = arith.constant 0 : i32
      %get3A_32 = arith.index_cast %get3A : i32 to index
      %get3A_33 = arith.index_cast %mul3A_31 : i32 to index
      %get3A_34 = tpu.vector_load %arg6[%get3A_32, %get3A_33] {strides = array<i32>} : memref<16x640xf32, #tpu.memory_space<vmem>>, vector<16xf32>,
      %mul3A_35 = arith.constant 16 : i32
      %mul3A_36 = arith.muli %scan3A_28, %mul3A_35 : i32
      %get3A_37 = arith.constant 1 : i32
      %get3A_38 = arith.index_cast %get3A_37 : i32 to index
      %get3A_39 = arith.index_cast %mul3A_36 : i32 to index
      %get3A_40 = tpu.vector_load %arg6[%get3A_38, %get3A_39] {strides = array<i32>} : memref<16x640xf32, #tpu.memory_space<vmem>>, vector<16xf32>,
      %add3A_41 = arith.addf %get3A_34, %get3A_40 : vector<16xf32>
      %mul3A_42 = arith.constant 16 : i32
      %mul3A_43 = arith.muli %scan3A_28, %mul3A_42 : i32
      %get3A_44 = arith.constant 2 : i32
      %get3A_45 = arith.index_cast %get3A_44 : i32 to index
      %get3A_46 = arith.index_cast %mul3A_43 : i32 to index
      %get3A_47 = tpu.vector_load %arg6[%get3A_45, %get3A_46] {strides = array<i32>} : memref<16x640xf32, #tpu.memory_space<vmem>>, vector<16xf32>,
      %add3A_48 = arith.addf %add3A_41, %get3A_47 : vector<16xf32>
      %mul3A_49 = arith.constant 16 : i32
      %mul3A_50 = arith.muli %scan3A_28, %mul3A_49 : i32
      %get3A_51 = arith.constant 3 : i32
      %get3A_52 = arith.index_cast %get3A_51 : i32 to index
      %get3A_53 = arith.index_cast %mul3A_50 : i32 to index
      %get3A_54 = tpu.vector_load %arg6[%get3A_52, %get3A_53] {strides = array<i32>} : memref<16x640xf32, #tpu.memory_space<vmem>>, vector<16xf32>,
      %add3A_55 = arith.addf %add3A_48, %get3A_54 : vector<16xf32>
      %mul3A_56 = arith.constant 16 : i32
      %mul3A_57 = arith.muli %scan3A_28, %mul3A_56 : i32
      %get3A_58 = arith.constant 4 : i32
      %get3A_59 = arith.index_cast %get3A_58 : i32 to index
      %get3A_60 = arith.index_cast %mul3A_57 : i32 to index
      %get3A_61 = tpu.vector_load %arg6[%get3A_59, %get3A_60] {strides = array<i32>} : memref<16x640xf32, #tpu.memory_space<vmem>>, vector<16xf32>,
      %add3A_62 = arith.addf %add3A_55, %get3A_61 : vector<16xf32>
      %mul3A_63 = arith.constant 16 : i32
      %mul3A_64 = arith.muli %scan3A_28, %mul3A_63 : i32
      %get3A_65 = arith.constant 5 : i32
      %get3A_66 = arith.index_cast %get3A_65 : i32 to index
      %get3A_67 = arith.index_cast %mul3A_64 : i32 to index
      %get3A_68 = tpu.vector_load %arg6[%get3A_66, %get3A_67] {strides = array<i32>} : memref<16x640xf32, #tpu.memory_space<vmem>>, vector<16xf32>,
      %add3A_69 = arith.addf %add3A_62, %get3A_68 : vector<16xf32>
      %mul3A_70 = arith.constant 16 : i32
      %mul3A_71 = arith.muli %scan3A_28, %mul3A_70 : i32
      %get3A_72 = arith.constant 6 : i32
      %get3A_73 = arith.index_cast %get3A_72 : i32 to index
      %get3A_74 = arith.index_cast %mul3A_71 : i32 to index
      %get3A_75 = tpu.vector_load %arg6[%get3A_73, %get3A_74] {strides = array<i32>} : memref<16x640xf32, #tpu.memory_space<vmem>>, vector<16xf32>,
      %add3A_76 = arith.addf %add3A_69, %get3A_75 : vector<16xf32>
      %mul3A_77 = arith.constant 16 : i32
      %mul3A_78 = arith.muli %scan3A_28, %mul3A_77 : i32
      %get3A_79 = arith.constant 7 : i32
      %get3A_80 = arith.index_cast %get3A_79 : i32 to index
      %get3A_81 = arith.index_cast %mul3A_78 : i32 to index
      %get3A_82 = tpu.vector_load %arg6[%get3A_80, %get3A_81] {strides = array<i32>} : memref<16x640xf32, #tpu.memory_space<vmem>>, vector<16xf32>,
      %add3A_83 = arith.addf %add3A_76, %get3A_82 : vector<16xf32>
      %mul3A_84 = arith.constant 16 : i32
      %mul3A_85 = arith.muli %scan3A_28, %mul3A_84 : i32
      %get3A_86 = arith.constant 8 : i32
      %get3A_87 = arith.index_cast %get3A_86 : i32 to index
      %get3A_88 = arith.index_cast %mul3A_85 : i32 to index
      %get3A_89 = tpu.vector_load %arg6[%get3A_87, %get3A_88] {strides = array<i32>} : memref<16x640xf32, #tpu.memory_space<vmem>>, vector<16xf32>,
      %add3A_90 = arith.addf %add3A_83, %get3A_89 : vector<16xf32>
      %mul3A_91 = arith.constant 16 : i32
      %mul3A_92 = arith.muli %scan3A_28, %mul3A_91 : i32
      %get3A_93 = arith.constant 9 : i32
      %get3A_94 = arith.index_cast %get3A_93 : i32 to index
      %get3A_95 = arith.index_cast %mul3A_92 : i32 to index
      %get3A_96 = tpu.vector_load %arg6[%get3A_94, %get3A_95] {strides = array<i32>} : memref<16x640xf32, #tpu.memory_space<vmem>>, vector<16xf32>,
      %add3A_97 = arith.addf %add3A_90, %get3A_96 : vector<16xf32>
      %mul3A_98 = arith.constant 16 : i32
      %mul3A_99 = arith.muli %scan3A_28, %mul3A_98 : i32
      %get3A_100 = arith.constant 10 : i32
      %get3A_101 = arith.index_cast %get3A_100 : i32 to index
      %get3A_102 = arith.index_cast %mul3A_99 : i32 to index
      %get3A_103 = tpu.vector_load %arg6[%get3A_101, %get3A_102] {strides = array<i32>} : memref<16x640xf32, #tpu.memory_space<vmem>>, vector<16xf32>,
      %add3A_104 = arith.addf %add3A_97, %get3A_103 : vector<16xf32>
      %mul3A_105 = arith.constant 16 : i32
      %mul3A_106 = arith.muli %scan3A_28, %mul3A_105 : i32
      %get3A_107 = arith.constant 11 : i32
      %get3A_108 = arith.index_cast %get3A_107 : i32 to index
      %get3A_109 = arith.index_cast %mul3A_106 : i32 to index
      %get3A_110 = tpu.vector_load %arg6[%get3A_108, %get3A_109] {strides = array<i32>} : memref<16x640xf32, #tpu.memory_space<vmem>>, vector<16xf32>,
      %add3A_111 = arith.addf %add3A_104, %get3A_110 : vector<16xf32>
      %mul3A_112 = arith.constant 16 : i32
      %mul3A_113 = arith.muli %scan3A_28, %mul3A_112 : i32
      %get3A_114 = arith.constant 12 : i32
      %get3A_115 = arith.index_cast %get3A_114 : i32 to index
      %get3A_116 = arith.index_cast %mul3A_113 : i32 to index
      %get3A_117 = tpu.vector_load %arg6[%get3A_115, %get3A_116] {strides = array<i32>} : memref<16x640xf32, #tpu.memory_space<vmem>>, vector<16xf32>,
      %add3A_118 = arith.addf %add3A_111, %get3A_117 : vector<16xf32>
      %mul3A_119 = arith.constant 16 : i32
      %mul3A_120 = arith.muli %scan3A_28, %mul3A_119 : i32
      %get3A_121 = arith.constant 13 : i32
      %get3A_122 = arith.index_cast %get3A_121 : i32 to index
      %get3A_123 = arith.index_cast %mul3A_120 : i32 to index
      %get3A_124 = tpu.vector_load %arg6[%get3A_122, %get3A_123] {strides = array<i32>} : memref<16x640xf32, #tpu.memory_space<vmem>>, vector<16xf32>,
      %add3A_125 = arith.addf %add3A_118, %get3A_124 : vector<16xf32>
      %mul3A_126 = arith.constant 16 : i32
      %mul3A_127 = arith.muli %scan3A_28, %mul3A_126 : i32
      %get3A_128 = arith.constant 14 : i32
      %get3A_129 = arith.index_cast %get3A_128 : i32 to index
      %get3A_130 = arith.index_cast %mul3A_127 : i32 to index
      %get3A_131 = tpu.vector_load %arg6[%get3A_129, %get3A_130] {strides = array<i32>} : memref<16x640xf32, #tpu.memory_space<vmem>>, vector<16xf32>,
      %add3A_132 = arith.addf %add3A_125, %get3A_131 : vector<16xf32>
      %mul3A_133 = arith.constant 16 : i32
      %mul3A_134 = arith.muli %scan3A_28, %mul3A_133 : i32
      %get3A_135 = arith.constant 15 : i32
      %get3A_136 = arith.index_cast %get3A_135 : i32 to index
      %get3A_137 = arith.index_cast %mul3A_134 : i32 to index
      %get3A_138 = tpu.vector_load %arg6[%get3A_136, %get3A_137] {strides = array<i32>} : memref<16x640xf32, #tpu.memory_space<vmem>>, vector<16xf32>,
      %add3A_139 = arith.addf %add3A_132, %get3A_138 : vector<16xf32>
      %mul3A_140 = arith.constant 16 : i32
      %mul3A_141 = arith.muli %scan3A_28, %mul3A_140 : i32
      %swap3A = arith.constant 0 : i32
      %swap3A_142 = arith.index_cast %swap3A : i32 to index
      %swap3A_143 = arith.index_cast %mul3A_141 : i32 to index
      %swap3A_144 = tpu.vector_load %arg6[%swap3A_142, %swap3A_143] {strides = array<i32>} : memref<16x640xf32, #tpu.memory_space<vmem>>, vector<16xf32>,
      tpu.vector_store %arg6[%swap3A_142, %swap3A_143], %add3A_139 {strides = array<i32>} : memref<16x640xf32, #tpu.memory_space<vmem>>, vector<16xf32>,
      %scan3A_145 = arith.constant 0 : i32
      scf.yield %scan3A_145 : i32
    }
    %scan3A_25 = arith.constant 40 : i32
    %mul3A_26 = arith.constant 640 : i32
    %mul3A_27 = arith.muli %arg1, %mul3A_26 : i32
    %run_scoped3A = arith.constant 0 : i32
    "tpu.region"() ({
      %run_scoped3A_28 = tpu.sem_alloc : memref<!tpu.dma_semaphore, #tpu.memory_space<semaphore_mem>>
      %dma_start3A = arith.constant 0 : i32
      %dma_start3A_29 = tpu.memref_slice %arg6[%run_scoped3A, %dma_start3A] : memref<16x640xf32, #tpu.memory_space<vmem>> -> memref<1x640xf32, #tpu.memory_space<vmem>>
      %dma_start3A_30 = tpu.memref_squeeze %dma_start3A_29 : memref<1x640xf32, #tpu.memory_space<vmem>> -> memref<640xf32, #tpu.memory_space<vmem>>
      %dma_start3A_31 = tpu.memref_slice %arg3[%arg0, %mul3A_27] : memref<2x10240xf32, #tpu.memory_space<hbm>> -> memref<1x640xf32, #tpu.memory_space<hbm>>
      %dma_start3A_32 = tpu.memref_squeeze %dma_start3A_31 : memref<1x640xf32, #tpu.memory_space<hbm>> -> memref<640xf32, #tpu.memory_space<hbm>>
      %dma_start3A_33 = tpu.memref_slice %arg3[%arg0, %mul3A_27] : memref<2x10240xf32, #tpu.memory_space<hbm>> -> memref<1x640xf32, #tpu.memory_space<hbm>>
      %dma_start3A_34 = tpu.memref_squeeze %dma_start3A_33 : memref<1x640xf32, #tpu.memory_space<hbm>> -> memref<640xf32, #tpu.memory_space<hbm>>
      %dma_start3A_35 = arith.constant 0 : i32
      %dma_start3A_36 = tpu.memref_slice %arg6[%run_scoped3A, %dma_start3A_35] : memref<16x640xf32, #tpu.memory_space<vmem>> -> memref<1x640xf32, #tpu.memory_space<vmem>>
      %dma_start3A_37 = tpu.memref_squeeze %dma_start3A_36 : memref<1x640xf32, #tpu.memory_space<vmem>> -> memref<640xf32, #tpu.memory_space<vmem>>
      tpu.enqueue_dma source(%dma_start3A_37 : memref<640xf32, #tpu.memory_space<vmem>>) target(%dma_start3A_34 : memref<640xf32, #tpu.memory_space<hbm>>) target_semaphore(%run_scoped3A_28 : memref<!tpu.dma_semaphore, #tpu.memory_space<semaphore_mem>>)
      %dma_wait3A = arith.constant 0 : i32
      %dma_wait3A_38 = tpu.memref_slice %arg6[%run_scoped3A, %dma_wait3A] : memref<16x640xf32, #tpu.memory_space<vmem>> -> memref<1x640xf32, #tpu.memory_space<vmem>>
      %dma_wait3A_39 = tpu.memref_squeeze %dma_wait3A_38 : memref<1x640xf32, #tpu.memory_space<vmem>> -> memref<640xf32, #tpu.memory_space<vmem>>
      %dma_wait3A_40 = tpu.memref_slice %arg3[%arg0, %mul3A_27] : memref<2x10240xf32, #tpu.memory_space<hbm>> -> memref<1x640xf32, #tpu.memory_space<hbm>>
      %dma_wait3A_41 = tpu.memref_squeeze %dma_wait3A_40 : memref<1x640xf32, #tpu.memory_space<hbm>> -> memref<640xf32, #tpu.memory_space<hbm>>
      %dma_wait3A_42 = tpu.memref_slice %arg3[%arg0, %mul3A_27] : memref<2x10240xf32, #tpu.memory_space<hbm>> -> memref<1x640xf32, #tpu.memory_space<hbm>>
      %dma_wait3A_43 = tpu.memref_squeeze %dma_wait3A_42 : memref<1x640xf32, #tpu.memory_space<hbm>> -> memref<640xf32, #tpu.memory_space<hbm>>
      %dma_wait3A_44 = arith.constant 0 : i32
      %dma_wait3A_45 = tpu.memref_slice %arg6[%run_scoped3A, %dma_wait3A_44] : memref<16x640xf32, #tpu.memory_space<vmem>> -> memref<1x640xf32, #tpu.memory_space<vmem>>
      %dma_wait3A_46 = tpu.memref_squeeze %dma_wait3A_45 : memref<1x640xf32, #tpu.memory_space<vmem>> -> memref<640xf32, #tpu.memory_space<vmem>>
      tpu.wait_dma2 semaphore(%run_scoped3A_28 : memref<!tpu.dma_semaphore, #tpu.memory_space<semaphore_mem>>) src(%dma_wait3A_46 : memref<640xf32, #tpu.memory_space<vmem>>) dst(%dma_wait3A_43 : memref<640xf32, #tpu.memory_space<hbm>>)
      tpu.yield
    }) : () -> ()
    return
  }
}

#map = affine_map<(d0, d1) -> (0, 0)>
#map1 = affine_map<(d0, d1) -> (0, 0, 0)>
module attributes {stable_mosaic.version = 14 : i64} {
  func.func @agg(%arg0: i32, %arg1: i32, %arg2: memref<10240x64xf32, #tpu.memory_space<hbm>>, %arg3: memref<32x80x128xi32, #tpu.memory_space<hbm>>, %arg4: memref<32x80x128xi32, #tpu.memory_space<hbm>>, %arg5: memref<2x10240x64xf32, #tpu.memory_space<hbm>>, %arg6: memref<80x128xi32, #tpu.memory_space<vmem>>, %arg7: memref<80x128xi32, #tpu.memory_space<vmem>>, %arg8: memref<2x128x64xf32, #tpu.memory_space<vmem>>, %arg9: memref<640x64xf32, #tpu.memory_space<vmem>>, %arg10: memref<10240x64xf32, #tpu.memory_space<vmem_shared>>, %arg11: memref<!tpu.dma_semaphore, #tpu.memory_space<semaphore_mem>>, %arg12: memref<!tpu.dma_semaphore, #tpu.memory_space<semaphore_mem>>) attributes {dimension_semantics = [#tpu.dimension_semantics<core_parallel>, #tpu.dimension_semantics<subcore_parallel>], iteration_bounds = array<i64: 2, 16>, scalar_prefetch = 0 : i64, scratch_operands = 7 : i64, tpu.core_type = #tpu.core_type<sc_vector_subcore>, window_params = [{transform_indices = #map}, {transform_indices = #map1}, {transform_indices = #map1}, {transform_indices = #map1}]} {
    %mul3A = arith.constant 2 : i32
    %mul3A_0 = arith.muli %arg1, %mul3A : i32
    %add3A = arith.addi %mul3A_0, %arg0 : i32
    %broadcast_in_dim3A = arith.constant 0.000000e+00 : f32
    %broadcast_in_dim3A_1 = vector.broadcast %broadcast_in_dim3A : f32 to vector<16xf32>
    %scan3A = arith.constant 0 : i32
    %scan3A_2 = arith.constant 0 : i32
    %scan3A_3 = arith.constant 640 : i32
    %scan3A_4 = arith.addi %scan3A_2, %scan3A_3 : i32
    %scan3A_5 = arith.constant 1 : i32
    %scan3A_6 = scf.for %scan3A_45 = %scan3A_2 to %scan3A_4 step %scan3A_5 iter_args(%scan3A_46 = %scan3A) -> (i32)  : i32 {
      %swap3A = arith.index_cast %scan3A_45 : i32 to index
      %swap3A_47 = arith.constant 0 : index
      %swap3A_48 = tpu.vector_load %arg9[%swap3A, %swap3A_47] {strides = array<i32>} : memref<640x64xf32, #tpu.memory_space<vmem>>, vector<16xf32>,
      tpu.vector_store %arg9[%swap3A, %swap3A_47], %broadcast_in_dim3A_1 {strides = array<i32>} : memref<640x64xf32, #tpu.memory_space<vmem>>, vector<16xf32>,
      %swap3A_49 = arith.index_cast %scan3A_45 : i32 to index
      %swap3A_50 = arith.constant 16 : index
      %swap3A_51 = tpu.vector_load %arg9[%swap3A_49, %swap3A_50] {strides = array<i32>} : memref<640x64xf32, #tpu.memory_space<vmem>>, vector<16xf32>,
      tpu.vector_store %arg9[%swap3A_49, %swap3A_50], %broadcast_in_dim3A_1 {strides = array<i32>} : memref<640x64xf32, #tpu.memory_space<vmem>>, vector<16xf32>,
      %swap3A_52 = arith.index_cast %scan3A_45 : i32 to index
      %swap3A_53 = arith.constant 32 : index
      %swap3A_54 = tpu.vector_load %arg9[%swap3A_52, %swap3A_53] {strides = array<i32>} : memref<640x64xf32, #tpu.memory_space<vmem>>, vector<16xf32>,
      tpu.vector_store %arg9[%swap3A_52, %swap3A_53], %broadcast_in_dim3A_1 {strides = array<i32>} : memref<640x64xf32, #tpu.memory_space<vmem>>, vector<16xf32>,
      %swap3A_55 = arith.index_cast %scan3A_45 : i32 to index
      %swap3A_56 = arith.constant 48 : index
      %swap3A_57 = tpu.vector_load %arg9[%swap3A_55, %swap3A_56] {strides = array<i32>} : memref<640x64xf32, #tpu.memory_space<vmem>>, vector<16xf32>,
      tpu.vector_store %arg9[%swap3A_55, %swap3A_56], %broadcast_in_dim3A_1 {strides = array<i32>} : memref<640x64xf32, #tpu.memory_space<vmem>>, vector<16xf32>,
      %scan3A_58 = arith.constant 0 : i32
      scf.yield %scan3A_58 : i32
    }
    %scan3A_7 = arith.constant 640 : i32
    %mul3A_8 = arith.constant 640 : i32
    %mul3A_9 = arith.muli %arg1, %mul3A_8 : i32
    "tpu.region"() ({
      %run_scoped3A = tpu.sem_alloc : memref<!tpu.dma_semaphore, #tpu.memory_space<semaphore_mem>>
      %dma_start3A_45 = arith.constant 0 : i32
      %dma_start3A_46 = tpu.memref_slice %arg10[%mul3A_9, %dma_start3A_45] : memref<10240x64xf32, #tpu.memory_space<vmem_shared>> -> memref<640x64xf32, #tpu.memory_space<vmem_shared>>
      %dma_start3A_47 = arith.constant 0 : i32
      %dma_start3A_48 = tpu.memref_slice %arg10[%mul3A_9, %dma_start3A_47] : memref<10240x64xf32, #tpu.memory_space<vmem_shared>> -> memref<640x64xf32, #tpu.memory_space<vmem_shared>>
      tpu.enqueue_dma source(%arg9 : memref<640x64xf32, #tpu.memory_space<vmem>>) target(%dma_start3A_48 : memref<640x64xf32, #tpu.memory_space<vmem_shared>>) target_semaphore(%run_scoped3A : memref<!tpu.dma_semaphore, #tpu.memory_space<semaphore_mem>>)
      %dma_wait3A_49 = arith.constant 0 : i32
      %dma_wait3A_50 = tpu.memref_slice %arg10[%mul3A_9, %dma_wait3A_49] : memref<10240x64xf32, #tpu.memory_space<vmem_shared>> -> memref<640x64xf32, #tpu.memory_space<vmem_shared>>
      %dma_wait3A_51 = arith.constant 0 : i32
      %dma_wait3A_52 = tpu.memref_slice %arg10[%mul3A_9, %dma_wait3A_51] : memref<10240x64xf32, #tpu.memory_space<vmem_shared>> -> memref<640x64xf32, #tpu.memory_space<vmem_shared>>
      tpu.wait_dma2 semaphore(%run_scoped3A : memref<!tpu.dma_semaphore, #tpu.memory_space<semaphore_mem>>) src(%arg9 : memref<640x64xf32, #tpu.memory_space<vmem>>) dst(%dma_wait3A_52 : memref<640x64xf32, #tpu.memory_space<vmem_shared>>)
      tpu.yield
    }) : () -> ()
    "tpu.region"() ({
      %run_scoped3A = tpu.sem_alloc : memref<!tpu.dma_semaphore, #tpu.memory_space<semaphore_mem>>
      %dma_start3A_45 = arith.constant 0 : i32
      %dma_start3A_46 = arith.constant 0 : i32
      %dma_start3A_47 = tpu.memref_slice %arg3[%add3A, %dma_start3A_45, %dma_start3A_46] : memref<32x80x128xi32, #tpu.memory_space<hbm>> -> memref<1x80x128xi32, #tpu.memory_space<hbm>>
      %dma_start3A_48 = tpu.memref_squeeze %dma_start3A_47 : memref<1x80x128xi32, #tpu.memory_space<hbm>> -> memref<80x128xi32, #tpu.memory_space<hbm>>
      %dma_start3A_49 = arith.constant 0 : i32
      %dma_start3A_50 = arith.constant 0 : i32
      %dma_start3A_51 = tpu.memref_slice %arg3[%add3A, %dma_start3A_49, %dma_start3A_50] : memref<32x80x128xi32, #tpu.memory_space<hbm>> -> memref<1x80x128xi32, #tpu.memory_space<hbm>>
      %dma_start3A_52 = tpu.memref_squeeze %dma_start3A_51 : memref<1x80x128xi32, #tpu.memory_space<hbm>> -> memref<80x128xi32, #tpu.memory_space<hbm>>
      tpu.enqueue_dma source(%dma_start3A_52 : memref<80x128xi32, #tpu.memory_space<hbm>>) target(%arg6 : memref<80x128xi32, #tpu.memory_space<vmem>>) target_semaphore(%run_scoped3A : memref<!tpu.dma_semaphore, #tpu.memory_space<semaphore_mem>>)
      %dma_wait3A_53 = arith.constant 0 : i32
      %dma_wait3A_54 = arith.constant 0 : i32
      %dma_wait3A_55 = tpu.memref_slice %arg3[%add3A, %dma_wait3A_53, %dma_wait3A_54] : memref<32x80x128xi32, #tpu.memory_space<hbm>> -> memref<1x80x128xi32, #tpu.memory_space<hbm>>
      %dma_wait3A_56 = tpu.memref_squeeze %dma_wait3A_55 : memref<1x80x128xi32, #tpu.memory_space<hbm>> -> memref<80x128xi32, #tpu.memory_space<hbm>>
      %dma_wait3A_57 = arith.constant 0 : i32
      %dma_wait3A_58 = arith.constant 0 : i32
      %dma_wait3A_59 = tpu.memref_slice %arg3[%add3A, %dma_wait3A_57, %dma_wait3A_58] : memref<32x80x128xi32, #tpu.memory_space<hbm>> -> memref<1x80x128xi32, #tpu.memory_space<hbm>>
      %dma_wait3A_60 = tpu.memref_squeeze %dma_wait3A_59 : memref<1x80x128xi32, #tpu.memory_space<hbm>> -> memref<80x128xi32, #tpu.memory_space<hbm>>
      tpu.wait_dma2 semaphore(%run_scoped3A : memref<!tpu.dma_semaphore, #tpu.memory_space<semaphore_mem>>) src(%dma_wait3A_60 : memref<80x128xi32, #tpu.memory_space<hbm>>) dst(%arg6 : memref<80x128xi32, #tpu.memory_space<vmem>>)
      tpu.yield
    }) : () -> ()
    "tpu.region"() ({
      %run_scoped3A = tpu.sem_alloc : memref<!tpu.dma_semaphore, #tpu.memory_space<semaphore_mem>>
      %dma_start3A_45 = arith.constant 0 : i32
      %dma_start3A_46 = arith.constant 0 : i32
      %dma_start3A_47 = tpu.memref_slice %arg4[%add3A, %dma_start3A_45, %dma_start3A_46] : memref<32x80x128xi32, #tpu.memory_space<hbm>> -> memref<1x80x128xi32, #tpu.memory_space<hbm>>
      %dma_start3A_48 = tpu.memref_squeeze %dma_start3A_47 : memref<1x80x128xi32, #tpu.memory_space<hbm>> -> memref<80x128xi32, #tpu.memory_space<hbm>>
      %dma_start3A_49 = arith.constant 0 : i32
      %dma_start3A_50 = arith.constant 0 : i32
      %dma_start3A_51 = tpu.memref_slice %arg4[%add3A, %dma_start3A_49, %dma_start3A_50] : memref<32x80x128xi32, #tpu.memory_space<hbm>> -> memref<1x80x128xi32, #tpu.memory_space<hbm>>
      %dma_start3A_52 = tpu.memref_squeeze %dma_start3A_51 : memref<1x80x128xi32, #tpu.memory_space<hbm>> -> memref<80x128xi32, #tpu.memory_space<hbm>>
      tpu.enqueue_dma source(%dma_start3A_52 : memref<80x128xi32, #tpu.memory_space<hbm>>) target(%arg7 : memref<80x128xi32, #tpu.memory_space<vmem>>) target_semaphore(%run_scoped3A : memref<!tpu.dma_semaphore, #tpu.memory_space<semaphore_mem>>)
      %dma_wait3A_53 = arith.constant 0 : i32
      %dma_wait3A_54 = arith.constant 0 : i32
      %dma_wait3A_55 = tpu.memref_slice %arg4[%add3A, %dma_wait3A_53, %dma_wait3A_54] : memref<32x80x128xi32, #tpu.memory_space<hbm>> -> memref<1x80x128xi32, #tpu.memory_space<hbm>>
      %dma_wait3A_56 = tpu.memref_squeeze %dma_wait3A_55 : memref<1x80x128xi32, #tpu.memory_space<hbm>> -> memref<80x128xi32, #tpu.memory_space<hbm>>
      %dma_wait3A_57 = arith.constant 0 : i32
      %dma_wait3A_58 = arith.constant 0 : i32
      %dma_wait3A_59 = tpu.memref_slice %arg4[%add3A, %dma_wait3A_57, %dma_wait3A_58] : memref<32x80x128xi32, #tpu.memory_space<hbm>> -> memref<1x80x128xi32, #tpu.memory_space<hbm>>
      %dma_wait3A_60 = tpu.memref_squeeze %dma_wait3A_59 : memref<1x80x128xi32, #tpu.memory_space<hbm>> -> memref<80x128xi32, #tpu.memory_space<hbm>>
      tpu.wait_dma2 semaphore(%run_scoped3A : memref<!tpu.dma_semaphore, #tpu.memory_space<semaphore_mem>>) src(%dma_wait3A_60 : memref<80x128xi32, #tpu.memory_space<hbm>>) dst(%arg7 : memref<80x128xi32, #tpu.memory_space<vmem>>)
      tpu.yield
    }) : () -> ()
    %barrier3A = arith.constant 0 : index
    tpu.barrier barrier_id(%barrier3A)
    %dma_start3A = arith.constant 0 : i32
    %dma_start3A_10 = arith.constant 0 : i32
    %dma_start3A_11 = arith.constant 0 : i32
    %dma_start3A_12 = arith.constant 0 : i32
    %dma_start3A_13 = tpu.memref_slice %arg8[%dma_start3A_10, %dma_start3A_11, %dma_start3A_12] : memref<2x128x64xf32, #tpu.memory_space<vmem>> -> memref<1x128x64xf32, #tpu.memory_space<vmem>>
    %dma_start3A_14 = tpu.memref_squeeze %dma_start3A_13 : memref<1x128x64xf32, #tpu.memory_space<vmem>> -> memref<128x64xf32, #tpu.memory_space<vmem>>
    %dma_start3A_15 = arith.constant 0 : i32
    %dma_start3A_16 = tpu.memref_slice %arg6[%dma_start3A, %dma_start3A_15] : memref<80x128xi32, #tpu.memory_space<vmem>> -> memref<1x128xi32, #tpu.memory_space<vmem>>
    %dma_start3A_17 = tpu.memref_squeeze %dma_start3A_16 : memref<1x128xi32, #tpu.memory_space<vmem>> -> memref<128xi32, #tpu.memory_space<vmem>>
    %dma_start3A_18 = arith.constant 0 : i32
    %dma_start3A_19 = arith.constant 0 : i32
    %dma_start3A_20 = tpu.memref_slice %arg2[%dma_start3A_18, %dma_start3A_19] : memref<10240x64xf32, #tpu.memory_space<hbm>> -> memref<10240x64xf32, #tpu.memory_space<hbm>>
    tpu.enqueue_indirect_dma source(%dma_start3A_20 : memref<10240x64xf32, #tpu.memory_space<hbm>>) target(%dma_start3A_14 : memref<128x64xf32, #tpu.memory_space<vmem>>) offsets(%dma_start3A_17 : memref<128xi32, #tpu.memory_space<vmem>>) semaphore(%arg11 : memref<!tpu.dma_semaphore, #tpu.memory_space<semaphore_mem>>)
    %scan3A_21 = arith.constant 0 : i32
    %scan3A_22 = arith.constant 0 : i32
    %scan3A_23 = arith.constant 80 : i32
    %scan3A_24 = arith.addi %scan3A_22, %scan3A_23 : i32
    %scan3A_25 = arith.constant 1 : i32
    %scan3A_26 = scf.for %scan3A_45 = %scan3A_22 to %scan3A_24 step %scan3A_25 iter_args(%scan3A_46 = %scan3A_21) -> (i32)  : i32 {
      %rem3A_47 = arith.constant 2 : i32
      %rem3A_48 = arith.remsi %scan3A_45, %rem3A_47 : i32
      %dma_wait3A_49 = arith.constant 0 : i32
      %dma_wait3A_50 = arith.constant 0 : i32
      %dma_wait3A_51 = tpu.memref_slice %arg8[%rem3A_48, %dma_wait3A_49, %dma_wait3A_50] : memref<2x128x64xf32, #tpu.memory_space<vmem>> -> memref<1x128x64xf32, #tpu.memory_space<vmem>>
      %dma_wait3A_52 = tpu.memref_squeeze %dma_wait3A_51 : memref<1x128x64xf32, #tpu.memory_space<vmem>> -> memref<128x64xf32, #tpu.memory_space<vmem>>
      %dma_wait3A_53 = arith.constant 0 : i32
      %dma_wait3A_54 = tpu.memref_slice %arg6[%scan3A_45, %dma_wait3A_53] : memref<80x128xi32, #tpu.memory_space<vmem>> -> memref<1x128xi32, #tpu.memory_space<vmem>>
      %dma_wait3A_55 = tpu.memref_squeeze %dma_wait3A_54 : memref<1x128xi32, #tpu.memory_space<vmem>> -> memref<128xi32, #tpu.memory_space<vmem>>
      %dma_wait3A_56 = arith.constant 0 : i32
      %dma_wait3A_57 = arith.constant 0 : i32
      %dma_wait3A_58 = tpu.memref_slice %arg2[%dma_wait3A_56, %dma_wait3A_57] : memref<10240x64xf32, #tpu.memory_space<hbm>> -> memref<10240x64xf32, #tpu.memory_space<hbm>>
      tpu.wait_indirect_dma semaphore(%arg11 : memref<!tpu.dma_semaphore, #tpu.memory_space<semaphore_mem>>) src(%dma_wait3A_58 : memref<10240x64xf32, #tpu.memory_space<hbm>>) dst(%dma_wait3A_52 : memref<128x64xf32, #tpu.memory_space<vmem>>)
      %gt3A = arith.constant 0 : i32
      %gt3A_59 = arith.cmpi sgt, %scan3A_45, %gt3A : i32
      %convert_element_type3A = arith.extui %gt3A_59 : i1 to i32
      %cond3A = arith.constant 0 : i32
      %cond3A_60 = arith.cmpi ne, %convert_element_type3A, %cond3A : i32
      scf.if %cond3A_60 {
        %sub3A = arith.constant 1 : i32
        %sub3A_76 = arith.subi %sub3A, %rem3A_48 : i32
        %sub3A_77 = arith.constant 1 : i32
        %sub3A_78 = arith.subi %scan3A_45, %sub3A_77 : i32
        %dma_wait3A_79 = arith.constant 0 : i32
        %dma_wait3A_80 = arith.constant 0 : i32
        %dma_wait3A_81 = tpu.memref_slice %arg8[%sub3A_76, %dma_wait3A_79, %dma_wait3A_80] : memref<2x128x64xf32, #tpu.memory_space<vmem>> -> memref<1x128x64xf32, #tpu.memory_space<vmem>>
        %dma_wait3A_82 = tpu.memref_squeeze %dma_wait3A_81 : memref<1x128x64xf32, #tpu.memory_space<vmem>> -> memref<128x64xf32, #tpu.memory_space<vmem>>
        %dma_wait3A_83 = arith.constant 0 : i32
        %dma_wait3A_84 = tpu.memref_slice %arg7[%sub3A_78, %dma_wait3A_83] : memref<80x128xi32, #tpu.memory_space<vmem>> -> memref<1x128xi32, #tpu.memory_space<vmem>>
        %dma_wait3A_85 = tpu.memref_squeeze %dma_wait3A_84 : memref<1x128xi32, #tpu.memory_space<vmem>> -> memref<128xi32, #tpu.memory_space<vmem>>
        %dma_wait3A_86 = arith.constant 0 : i32
        %dma_wait3A_87 = arith.constant 0 : i32
        %dma_wait3A_88 = tpu.memref_slice %arg10[%dma_wait3A_86, %dma_wait3A_87] : memref<10240x64xf32, #tpu.memory_space<vmem_shared>> -> memref<10240x64xf32, #tpu.memory_space<vmem_shared>>
        tpu.wait_indirect_dma semaphore(%arg12 : memref<!tpu.dma_semaphore, #tpu.memory_space<semaphore_mem>>) src(%dma_wait3A_82 : memref<128x64xf32, #tpu.memory_space<vmem>>) dst(%dma_wait3A_88 : memref<10240x64xf32, #tpu.memory_space<vmem_shared>>)
      } else {
      }
      %lt3A = arith.constant 79 : i32
      %lt3A_61 = arith.cmpi slt, %scan3A_45, %lt3A : i32
      %convert_element_type3A_62 = arith.extui %lt3A_61 : i1 to i32
      %cond3A_63 = arith.constant 0 : i32
      %cond3A_64 = arith.cmpi ne, %convert_element_type3A_62, %cond3A_63 : i32
      scf.if %cond3A_64 {
        %add3A_76 = arith.constant 1 : i32
        %add3A_77 = arith.addi %scan3A_45, %add3A_76 : i32
        %sub3A = arith.constant 1 : i32
        %sub3A_78 = arith.subi %sub3A, %rem3A_48 : i32
        %dma_start3A_79 = arith.constant 0 : i32
        %dma_start3A_80 = arith.constant 0 : i32
        %dma_start3A_81 = tpu.memref_slice %arg8[%sub3A_78, %dma_start3A_79, %dma_start3A_80] : memref<2x128x64xf32, #tpu.memory_space<vmem>> -> memref<1x128x64xf32, #tpu.memory_space<vmem>>
        %dma_start3A_82 = tpu.memref_squeeze %dma_start3A_81 : memref<1x128x64xf32, #tpu.memory_space<vmem>> -> memref<128x64xf32, #tpu.memory_space<vmem>>
        %dma_start3A_83 = arith.constant 0 : i32
        %dma_start3A_84 = tpu.memref_slice %arg6[%add3A_77, %dma_start3A_83] : memref<80x128xi32, #tpu.memory_space<vmem>> -> memref<1x128xi32, #tpu.memory_space<vmem>>
        %dma_start3A_85 = tpu.memref_squeeze %dma_start3A_84 : memref<1x128xi32, #tpu.memory_space<vmem>> -> memref<128xi32, #tpu.memory_space<vmem>>
        %dma_start3A_86 = arith.constant 0 : i32
        %dma_start3A_87 = arith.constant 0 : i32
        %dma_start3A_88 = tpu.memref_slice %arg2[%dma_start3A_86, %dma_start3A_87] : memref<10240x64xf32, #tpu.memory_space<hbm>> -> memref<10240x64xf32, #tpu.memory_space<hbm>>
        tpu.enqueue_indirect_dma source(%dma_start3A_88 : memref<10240x64xf32, #tpu.memory_space<hbm>>) target(%dma_start3A_82 : memref<128x64xf32, #tpu.memory_space<vmem>>) offsets(%dma_start3A_85 : memref<128xi32, #tpu.memory_space<vmem>>) semaphore(%arg11 : memref<!tpu.dma_semaphore, #tpu.memory_space<semaphore_mem>>)
      } else {
      }
      %dma_start3A_65 = arith.constant 0 : i32
      %dma_start3A_66 = arith.constant 0 : i32
      %dma_start3A_67 = tpu.memref_slice %arg8[%rem3A_48, %dma_start3A_65, %dma_start3A_66] : memref<2x128x64xf32, #tpu.memory_space<vmem>> -> memref<1x128x64xf32, #tpu.memory_space<vmem>>
      %dma_start3A_68 = tpu.memref_squeeze %dma_start3A_67 : memref<1x128x64xf32, #tpu.memory_space<vmem>> -> memref<128x64xf32, #tpu.memory_space<vmem>>
      %dma_start3A_69 = arith.constant 0 : i32
      %dma_start3A_70 = tpu.memref_slice %arg7[%scan3A_45, %dma_start3A_69] : memref<80x128xi32, #tpu.memory_space<vmem>> -> memref<1x128xi32, #tpu.memory_space<vmem>>
      %dma_start3A_71 = tpu.memref_squeeze %dma_start3A_70 : memref<1x128xi32, #tpu.memory_space<vmem>> -> memref<128xi32, #tpu.memory_space<vmem>>
      %dma_start3A_72 = arith.constant 0 : i32
      %dma_start3A_73 = arith.constant 0 : i32
      %dma_start3A_74 = tpu.memref_slice %arg10[%dma_start3A_72, %dma_start3A_73] : memref<10240x64xf32, #tpu.memory_space<vmem_shared>> -> memref<10240x64xf32, #tpu.memory_space<vmem_shared>>
      tpu.enqueue_indirect_dma source(%dma_start3A_68 : memref<128x64xf32, #tpu.memory_space<vmem>>) target(%dma_start3A_74 : memref<10240x64xf32, #tpu.memory_space<vmem_shared>>) offsets(%dma_start3A_71 : memref<128xi32, #tpu.memory_space<vmem>>) semaphore(%arg12 : memref<!tpu.dma_semaphore, #tpu.memory_space<semaphore_mem>>) {add = true}
      %scan3A_75 = arith.constant 0 : i32
      scf.yield %scan3A_75 : i32
    }
    %scan3A_27 = arith.constant 80 : i32
    %rem3A = arith.constant 79 : i32
    %rem3A_28 = arith.constant 2 : i32
    %rem3A_29 = arith.remsi %rem3A, %rem3A_28 : i32
    %dma_wait3A = arith.constant 79 : i32
    %dma_wait3A_30 = arith.constant 0 : i32
    %dma_wait3A_31 = arith.constant 0 : i32
    %dma_wait3A_32 = tpu.memref_slice %arg8[%rem3A_29, %dma_wait3A_30, %dma_wait3A_31] : memref<2x128x64xf32, #tpu.memory_space<vmem>> -> memref<1x128x64xf32, #tpu.memory_space<vmem>>
    %dma_wait3A_33 = tpu.memref_squeeze %dma_wait3A_32 : memref<1x128x64xf32, #tpu.memory_space<vmem>> -> memref<128x64xf32, #tpu.memory_space<vmem>>
    %dma_wait3A_34 = arith.constant 0 : i32
    %dma_wait3A_35 = tpu.memref_slice %arg7[%dma_wait3A, %dma_wait3A_34] : memref<80x128xi32, #tpu.memory_space<vmem>> -> memref<1x128xi32, #tpu.memory_space<vmem>>
    %dma_wait3A_36 = tpu.memref_squeeze %dma_wait3A_35 : memref<1x128xi32, #tpu.memory_space<vmem>> -> memref<128xi32, #tpu.memory_space<vmem>>
    %dma_wait3A_37 = arith.constant 0 : i32
    %dma_wait3A_38 = arith.constant 0 : i32
    %dma_wait3A_39 = tpu.memref_slice %arg10[%dma_wait3A_37, %dma_wait3A_38] : memref<10240x64xf32, #tpu.memory_space<vmem_shared>> -> memref<10240x64xf32, #tpu.memory_space<vmem_shared>>
    tpu.wait_indirect_dma semaphore(%arg12 : memref<!tpu.dma_semaphore, #tpu.memory_space<semaphore_mem>>) src(%dma_wait3A_33 : memref<128x64xf32, #tpu.memory_space<vmem>>) dst(%dma_wait3A_39 : memref<10240x64xf32, #tpu.memory_space<vmem_shared>>)
    %barrier3A_40 = arith.constant 0 : index
    tpu.barrier barrier_id(%barrier3A_40)
    %mul3A_41 = arith.constant 640 : i32
    %mul3A_42 = arith.muli %arg1, %mul3A_41 : i32
    %mul3A_43 = arith.constant 640 : i32
    %mul3A_44 = arith.muli %arg1, %mul3A_43 : i32
    "tpu.region"() ({
      %run_scoped3A = tpu.sem_alloc : memref<!tpu.dma_semaphore, #tpu.memory_space<semaphore_mem>>
      %dma_start3A_45 = arith.constant 0 : i32
      %dma_start3A_46 = tpu.memref_slice %arg5[%arg0, %mul3A_44, %dma_start3A_45] : memref<2x10240x64xf32, #tpu.memory_space<hbm>> -> memref<1x640x64xf32, #tpu.memory_space<hbm>>
      %dma_start3A_47 = tpu.memref_squeeze %dma_start3A_46 : memref<1x640x64xf32, #tpu.memory_space<hbm>> -> memref<640x64xf32, #tpu.memory_space<hbm>>
      %dma_start3A_48 = arith.constant 0 : i32
      %dma_start3A_49 = tpu.memref_slice %arg10[%mul3A_42, %dma_start3A_48] : memref<10240x64xf32, #tpu.memory_space<vmem_shared>> -> memref<640x64xf32, #tpu.memory_space<vmem_shared>>
      tpu.enqueue_dma source(%dma_start3A_49 : memref<640x64xf32, #tpu.memory_space<vmem_shared>>) target(%dma_start3A_47 : memref<640x64xf32, #tpu.memory_space<hbm>>) target_semaphore(%run_scoped3A : memref<!tpu.dma_semaphore, #tpu.memory_space<semaphore_mem>>)
      %dma_wait3A_50 = arith.constant 0 : i32
      %dma_wait3A_51 = tpu.memref_slice %arg5[%arg0, %mul3A_44, %dma_wait3A_50] : memref<2x10240x64xf32, #tpu.memory_space<hbm>> -> memref<1x640x64xf32, #tpu.memory_space<hbm>>
      %dma_wait3A_52 = tpu.memref_squeeze %dma_wait3A_51 : memref<1x640x64xf32, #tpu.memory_space<hbm>> -> memref<640x64xf32, #tpu.memory_space<hbm>>
      %dma_wait3A_53 = arith.constant 0 : i32
      %dma_wait3A_54 = tpu.memref_slice %arg10[%mul3A_42, %dma_wait3A_53] : memref<10240x64xf32, #tpu.memory_space<vmem_shared>> -> memref<640x64xf32, #tpu.memory_space<vmem_shared>>
      tpu.wait_dma2 semaphore(%run_scoped3A : memref<!tpu.dma_semaphore, #tpu.memory_space<semaphore_mem>>) src(%dma_wait3A_54 : memref<640x64xf32, #tpu.memory_space<vmem_shared>>) dst(%dma_wait3A_52 : memref<640x64xf32, #tpu.memory_space<hbm>>)
      tpu.yield
    }) : () -> ()
    return
  }
}

module attributes {stable_mosaic.version = 14 : i64} {
  func.func @_mm1_body(%arg0: i32, %arg1: memref<1024x128xf32, #tpu.memory_space<vmem>>, %arg2: memref<128x64xf32, #tpu.memory_space<vmem>>, %arg3: memref<1024x2xf32, #tpu.memory_space<vmem>>, %arg4: memref<1024x64xf32, #tpu.memory_space<vmem>>) attributes {dimension_semantics = [#tpu.dimension_semantics<arbitrary>], iteration_bounds = array<i64: 10>, scalar_prefetch = 0 : i64, scratch_operands = 0 : i64, tpu.core_type = #tpu.core_type<tc>, window_params = [{transform_indices = @transform_0, window_bounds = array<i64: 1024, 128>}, {pipeline_mode = #tpu.pipeline_mode<synchronous>, transform_indices = @transform_1, window_bounds = array<i64: 128, 64>}, {transform_indices = @transform_2, window_bounds = array<i64: 1024, 2>}, {transform_indices = @transform_3, window_bounds = array<i64: 1024, 64>}]} {
    %get3A = arith.constant 0 : index
    %get3A_0 = arith.constant 0 : index
    %get3A_1 = vector.load %arg3[%get3A, %get3A_0] : memref<1024x2xf32, #tpu.memory_space<vmem>>, vector<1024x1xf32>
    %add3A = arith.constant 1.000000e+00 : f32
    %add3A_2 = vector.broadcast %add3A : f32 to vector<1024x1xf32>
    %add3A_3 = arith.addf %add3A_2, %get3A_1 : vector<1024x1xf32>
    %get3A_4 = arith.constant 0 : index
    %get3A_5 = arith.constant 1 : index
    %get3A_6 = vector.load %arg3[%get3A_4, %get3A_5] : memref<1024x2xf32, #tpu.memory_space<vmem>>, vector<1024x1xf32>
    %add3A_7 = arith.addf %add3A_3, %get3A_6 : vector<1024x1xf32>
    %rsqrt3A = math.rsqrt %add3A_7 : vector<1024x1xf32>
    %get3A_8 = arith.constant 0 : index
    %get3A_9 = arith.constant 0 : index
    %get3A_10 = vector.load %arg1[%get3A_8, %get3A_9] : memref<1024x128xf32, #tpu.memory_space<vmem>>, vector<1024x128xf32>
    %get3A_11 = arith.constant 0 : index
    %get3A_12 = arith.constant 0 : index
    %get3A_13 = vector.load %arg2[%get3A_11, %get3A_12] : memref<128x64xf32, #tpu.memory_space<vmem>>, vector<128x64xf32>
    %dot_general3A = arith.constant dense<0.000000e+00> : vector<1024x64xf32>
    %dot_general3A_14 = tpu.matmul %get3A_10, %get3A_13, %dot_general3A {dimension_numbers = #tpu.dot_dimension_numbers<[1], [0], [0], [1], [0, 0, 1, 1], [], []>, transpose_lhs_hint = false} : vector<1024x128xf32>, vector<128x64xf32>, vector<1024x64xf32> -> vector<1024x64xf32>
    %mul3A = vector.broadcast %rsqrt3A : vector<1024x1xf32> to vector<1024x64xf32>
    %mul3A_15 = arith.mulf %dot_general3A_14, %mul3A : vector<1024x64xf32>
    %swap3A = arith.constant 0 : index
    %swap3A_16 = arith.constant 0 : index
    %swap3A_17 = vector.load %arg4[%swap3A, %swap3A_16] : memref<1024x64xf32, #tpu.memory_space<vmem>>, vector<1024x64xf32>
    tpu.vector_store %arg4[%swap3A, %swap3A_16], %mul3A_15 {strides = array<i32>} : memref<1024x64xf32, #tpu.memory_space<vmem>>, vector<1024x64xf32>,
    return
  }
  func.func @transform_0(%arg0: i32) -> (i32, i32) {
    %c0_i32 = arith.constant 0 : i32
    %c0_i32_0 = arith.constant 0 : i32
    return %arg0, %c0_i32 : i32, i32
  }
  func.func @transform_1(%arg0: i32) -> (i32, i32) {
    %c0_i32 = arith.constant 0 : i32
    %c0_i32_0 = arith.constant 0 : i32
    %c0_i32_1 = arith.constant 0 : i32
    return %c0_i32, %c0_i32_0 : i32, i32
  }
  func.func @transform_2(%arg0: i32) -> (i32, i32) {
    %c0_i32 = arith.constant 0 : i32
    %c0_i32_0 = arith.constant 0 : i32
    return %arg0, %c0_i32 : i32, i32
  }
  func.func @transform_3(%arg0: i32) -> (i32, i32) {
    %c0_i32 = arith.constant 0 : i32
    %c0_i32_0 = arith.constant 0 : i32
    return %arg0, %c0_i32 : i32, i32
  }
}

module attributes {stable_mosaic.version = 14 : i64} {
  func.func @_mm2_body(%arg0: i32, %arg1: memref<2x1024x64xf32, #tpu.memory_space<vmem>>, %arg2: memref<1024x64xf32, #tpu.memory_space<vmem>>, %arg3: memref<1024x2xf32, #tpu.memory_space<vmem>>, %arg4: memref<1x64xf32, #tpu.memory_space<vmem>>, %arg5: memref<64x64xf32, #tpu.memory_space<vmem>>, %arg6: memref<1024x64xf32, #tpu.memory_space<vmem>>) attributes {dimension_semantics = [#tpu.dimension_semantics<arbitrary>], iteration_bounds = array<i64: 10>, scalar_prefetch = 0 : i64, scratch_operands = 0 : i64, tpu.core_type = #tpu.core_type<tc>, window_params = [{transform_indices = @transform_0, window_bounds = array<i64: 2, 1024, 64>}, {transform_indices = @transform_1, window_bounds = array<i64: 1024, 64>}, {transform_indices = @transform_2, window_bounds = array<i64: 1024, 2>}, {pipeline_mode = #tpu.pipeline_mode<synchronous>, transform_indices = @transform_3, window_bounds = array<i64: 1, 64>}, {pipeline_mode = #tpu.pipeline_mode<synchronous>, transform_indices = @transform_4, window_bounds = array<i64: 64, 64>}, {transform_indices = @transform_5, window_bounds = array<i64: 1024, 64>}]} {
    %get3A = arith.constant 0 : index
    %get3A_0 = arith.constant 0 : index
    %get3A_1 = vector.load %arg3[%get3A, %get3A_0] : memref<1024x2xf32, #tpu.memory_space<vmem>>, vector<1024x1xf32>
    %add3A = arith.constant 1.000000e+00 : f32
    %add3A_2 = vector.broadcast %add3A : f32 to vector<1024x1xf32>
    %add3A_3 = arith.addf %add3A_2, %get3A_1 : vector<1024x1xf32>
    %get3A_4 = arith.constant 0 : index
    %get3A_5 = arith.constant 1 : index
    %get3A_6 = vector.load %arg3[%get3A_4, %get3A_5] : memref<1024x2xf32, #tpu.memory_space<vmem>>, vector<1024x1xf32>
    %add3A_7 = arith.addf %add3A_3, %get3A_6 : vector<1024x1xf32>
    %rsqrt3A = math.rsqrt %add3A_7 : vector<1024x1xf32>
    %get3A_8 = arith.constant 0 : index
    %get3A_9 = arith.constant 0 : index
    %get3A_10 = arith.constant 0 : index
    %get3A_11 = vector.load %arg1[%get3A_8, %get3A_9, %get3A_10] : memref<2x1024x64xf32, #tpu.memory_space<vmem>>, vector<1x1024x64xf32>
    %get3A_12 = vector.shape_cast %get3A_11 : vector<1x1024x64xf32> to vector<1024x64xf32>
    %get3A_13 = arith.constant 1 : index
    %get3A_14 = arith.constant 0 : index
    %get3A_15 = arith.constant 0 : index
    %get3A_16 = vector.load %arg1[%get3A_13, %get3A_14, %get3A_15] : memref<2x1024x64xf32, #tpu.memory_space<vmem>>, vector<1x1024x64xf32>
    %get3A_17 = vector.shape_cast %get3A_16 : vector<1x1024x64xf32> to vector<1024x64xf32>
    %add3A_18 = arith.addf %get3A_12, %get3A_17 : vector<1024x64xf32>
    %get3A_19 = arith.constant 0 : index
    %get3A_20 = arith.constant 0 : index
    %get3A_21 = vector.load %arg2[%get3A_19, %get3A_20] : memref<1024x64xf32, #tpu.memory_space<vmem>>, vector<1024x64xf32>
    %add3A_22 = arith.addf %add3A_18, %get3A_21 : vector<1024x64xf32>
    %mul3A = vector.broadcast %rsqrt3A : vector<1024x1xf32> to vector<1024x64xf32>
    %mul3A_23 = arith.mulf %add3A_22, %mul3A : vector<1024x64xf32>
    %get3A_24 = arith.constant 0 : index
    %get3A_25 = arith.constant 0 : index
    %get3A_26 = vector.load %arg4[%get3A_24, %get3A_25] : memref<1x64xf32, #tpu.memory_space<vmem>>, vector<1x64xf32>
    %add3A_27 = vector.broadcast %get3A_26 : vector<1x64xf32> to vector<1024x64xf32>
    %add3A_28 = arith.addf %mul3A_23, %add3A_27 : vector<1024x64xf32>
    %max3A = arith.constant 0.000000e+00 : f32
    %max3A_29 = vector.broadcast %max3A : f32 to vector<1024x64xf32>
    %max3A_30 = arith.maximumf %add3A_28, %max3A_29 : vector<1024x64xf32>
    %get3A_31 = arith.constant 0 : index
    %get3A_32 = arith.constant 0 : index
    %get3A_33 = vector.load %arg5[%get3A_31, %get3A_32] : memref<64x64xf32, #tpu.memory_space<vmem>>, vector<64x64xf32>
    %dot_general3A = arith.constant dense<0.000000e+00> : vector<1024x64xf32>
    %dot_general3A_34 = tpu.matmul %max3A_30, %get3A_33, %dot_general3A {dimension_numbers = #tpu.dot_dimension_numbers<[1], [0], [0], [1], [0, 0, 1, 1], [], []>, transpose_lhs_hint = false} : vector<1024x64xf32>, vector<64x64xf32>, vector<1024x64xf32> -> vector<1024x64xf32>
    %mul3A_35 = vector.broadcast %rsqrt3A : vector<1024x1xf32> to vector<1024x64xf32>
    %mul3A_36 = arith.mulf %dot_general3A_34, %mul3A_35 : vector<1024x64xf32>
    %swap3A = arith.constant 0 : index
    %swap3A_37 = arith.constant 0 : index
    %swap3A_38 = vector.load %arg6[%swap3A, %swap3A_37] : memref<1024x64xf32, #tpu.memory_space<vmem>>, vector<1024x64xf32>
    tpu.vector_store %arg6[%swap3A, %swap3A_37], %mul3A_36 {strides = array<i32>} : memref<1024x64xf32, #tpu.memory_space<vmem>>, vector<1024x64xf32>,
    return
  }
  func.func @transform_0(%arg0: i32) -> (i32, i32, i32) {
    %c0_i32 = arith.constant 0 : i32
    %c0_i32_0 = arith.constant 0 : i32
    %c0_i32_1 = arith.constant 0 : i32
    return %c0_i32, %arg0, %c0_i32_0 : i32, i32, i32
  }
  func.func @transform_1(%arg0: i32) -> (i32, i32) {
    %c0_i32 = arith.constant 0 : i32
    %c0_i32_0 = arith.constant 0 : i32
    return %arg0, %c0_i32 : i32, i32
  }
  func.func @transform_2(%arg0: i32) -> (i32, i32) {
    %c0_i32 = arith.constant 0 : i32
    %c0_i32_0 = arith.constant 0 : i32
    return %arg0, %c0_i32 : i32, i32
  }
  func.func @transform_3(%arg0: i32) -> (i32, i32) {
    %c0_i32 = arith.constant 0 : i32
    %c0_i32_0 = arith.constant 0 : i32
    %c0_i32_1 = arith.constant 0 : i32
    return %c0_i32, %c0_i32_0 : i32, i32
  }
  func.func @transform_4(%arg0: i32) -> (i32, i32) {
    %c0_i32 = arith.constant 0 : i32
    %c0_i32_0 = arith.constant 0 : i32
    %c0_i32_1 = arith.constant 0 : i32
    return %c0_i32, %c0_i32_0 : i32, i32
  }
  func.func @transform_5(%arg0: i32) -> (i32, i32) {
    %c0_i32 = arith.constant 0 : i32
    %c0_i32_0 = arith.constant 0 : i32
    return %arg0, %c0_i32 : i32, i32
  }
}

module attributes {stable_mosaic.version = 14 : i64} {
  func.func @_fin_body(%arg0: i32, %arg1: memref<2x1024x64xf32, #tpu.memory_space<vmem>>, %arg2: memref<1024x64xf32, #tpu.memory_space<vmem>>, %arg3: memref<1024x2xf32, #tpu.memory_space<vmem>>, %arg4: memref<1x64xf32, #tpu.memory_space<vmem>>, %arg5: memref<1024x64xf32, #tpu.memory_space<vmem>>) attributes {dimension_semantics = [#tpu.dimension_semantics<arbitrary>], iteration_bounds = array<i64: 10>, scalar_prefetch = 0 : i64, scratch_operands = 0 : i64, tpu.core_type = #tpu.core_type<tc>, window_params = [{transform_indices = @transform_0, window_bounds = array<i64: 2, 1024, 64>}, {transform_indices = @transform_1, window_bounds = array<i64: 1024, 64>}, {transform_indices = @transform_2, window_bounds = array<i64: 1024, 2>}, {pipeline_mode = #tpu.pipeline_mode<synchronous>, transform_indices = @transform_3, window_bounds = array<i64: 1, 64>}, {transform_indices = @transform_4, window_bounds = array<i64: 1024, 64>}]} {
    %get3A = arith.constant 0 : index
    %get3A_0 = arith.constant 0 : index
    %get3A_1 = vector.load %arg3[%get3A, %get3A_0] : memref<1024x2xf32, #tpu.memory_space<vmem>>, vector<1024x1xf32>
    %add3A = arith.constant 1.000000e+00 : f32
    %add3A_2 = vector.broadcast %add3A : f32 to vector<1024x1xf32>
    %add3A_3 = arith.addf %add3A_2, %get3A_1 : vector<1024x1xf32>
    %get3A_4 = arith.constant 0 : index
    %get3A_5 = arith.constant 1 : index
    %get3A_6 = vector.load %arg3[%get3A_4, %get3A_5] : memref<1024x2xf32, #tpu.memory_space<vmem>>, vector<1024x1xf32>
    %add3A_7 = arith.addf %add3A_3, %get3A_6 : vector<1024x1xf32>
    %rsqrt3A = math.rsqrt %add3A_7 : vector<1024x1xf32>
    %get3A_8 = arith.constant 0 : index
    %get3A_9 = arith.constant 0 : index
    %get3A_10 = arith.constant 0 : index
    %get3A_11 = vector.load %arg1[%get3A_8, %get3A_9, %get3A_10] : memref<2x1024x64xf32, #tpu.memory_space<vmem>>, vector<1x1024x64xf32>
    %get3A_12 = vector.shape_cast %get3A_11 : vector<1x1024x64xf32> to vector<1024x64xf32>
    %get3A_13 = arith.constant 1 : index
    %get3A_14 = arith.constant 0 : index
    %get3A_15 = arith.constant 0 : index
    %get3A_16 = vector.load %arg1[%get3A_13, %get3A_14, %get3A_15] : memref<2x1024x64xf32, #tpu.memory_space<vmem>>, vector<1x1024x64xf32>
    %get3A_17 = vector.shape_cast %get3A_16 : vector<1x1024x64xf32> to vector<1024x64xf32>
    %add3A_18 = arith.addf %get3A_12, %get3A_17 : vector<1024x64xf32>
    %get3A_19 = arith.constant 0 : index
    %get3A_20 = arith.constant 0 : index
    %get3A_21 = vector.load %arg2[%get3A_19, %get3A_20] : memref<1024x64xf32, #tpu.memory_space<vmem>>, vector<1024x64xf32>
    %add3A_22 = arith.addf %add3A_18, %get3A_21 : vector<1024x64xf32>
    %mul3A = vector.broadcast %rsqrt3A : vector<1024x1xf32> to vector<1024x64xf32>
    %mul3A_23 = arith.mulf %add3A_22, %mul3A : vector<1024x64xf32>
    %get3A_24 = arith.constant 0 : index
    %get3A_25 = arith.constant 0 : index
    %get3A_26 = vector.load %arg4[%get3A_24, %get3A_25] : memref<1x64xf32, #tpu.memory_space<vmem>>, vector<1x64xf32>
    %add3A_27 = vector.broadcast %get3A_26 : vector<1x64xf32> to vector<1024x64xf32>
    %add3A_28 = arith.addf %mul3A_23, %add3A_27 : vector<1024x64xf32>
    %swap3A = arith.constant 0 : index
    %swap3A_29 = arith.constant 0 : index
    %swap3A_30 = vector.load %arg5[%swap3A, %swap3A_29] : memref<1024x64xf32, #tpu.memory_space<vmem>>, vector<1024x64xf32>
    tpu.vector_store %arg5[%swap3A, %swap3A_29], %add3A_28 {strides = array<i32>} : memref<1024x64xf32, #tpu.memory_space<vmem>>, vector<1024x64xf32>,
    return
  }
  func.func @transform_0(%arg0: i32) -> (i32, i32, i32) {
    %c0_i32 = arith.constant 0 : i32
    %c0_i32_0 = arith.constant 0 : i32
    %c0_i32_1 = arith.constant 0 : i32
    return %c0_i32, %arg0, %c0_i32_0 : i32, i32, i32
  }
  func.func @transform_1(%arg0: i32) -> (i32, i32) {
    %c0_i32 = arith.constant 0 : i32
    %c0_i32_0 = arith.constant 0 : i32
    return %arg0, %c0_i32 : i32, i32
  }
  func.func @transform_2(%arg0: i32) -> (i32, i32) {
    %c0_i32 = arith.constant 0 : i32
    %c0_i32_0 = arith.constant 0 : i32
    return %arg0, %c0_i32 : i32, i32
  }
  func.func @transform_3(%arg0: i32) -> (i32, i32) {
    %c0_i32 = arith.constant 0 : i32
    %c0_i32_0 = arith.constant 0 : i32
    %c0_i32_1 = arith.constant 0 : i32
    return %c0_i32, %c0_i32_0 : i32, i32
  }
  func.func @transform_4(%arg0: i32) -> (i32, i32) {
    %c0_i32 = arith.constant 0 : i32
    %c0_i32_0 = arith.constant 0 : i32
    return %arg0, %c0_i32 : i32, i32
  }
}

</mosaic_0001>

<sc_bundles>
// kernel: kernel.11.cloned.1.call-start
scs
__scs_entry_jumppad:
0x0: {  	(pc) =	sbr.rel $0x88, $3  }
0x1: {  	(tag) =	ssettag $0x0;
	lr =	simm.s32 $0x1  }
0x2: {  	[smem:$0x3F9B] =	sst lr;
	_ =	strace $0xD0000000  }
0x3: {  	_ = 	snop  }
0x4: {  	_ = 	snop  }
0x5: {  	_ = 	snop  }
0x6: {  	_ = 	snop  }
0x7: {  	_ = 	snop  }
__scs_overlays_trampoline_lowered:
0x8: {  	[smem:$0x3FAA] =	sst s0  }
0x9: {  	[smem:$0x3FAB] =	sst s1  }
0xa: {  	[smem:$0x3FAC] =	sst s2  }
0xb: {  	[smem:$0x3FAD] =	sst s3  }
0xc: {  	[smem:$0x3FAE] =	sst s4  }
0xd: {  	[smem:$0x3FAF] =	sst s5  }
0xe: {  	[smem:$0x3FB0] =	sst s6  }
0xf: {  	[smem:$0x3FB1] =	sst s7  }
0x10: {  	[smem:$0x3FB2] =	sst s8  }
0x11: {  	[smem:$0x3FB3] =	sst s9;
	s0 =	simm.s32 @!p0 $0x0  }
0x12: {  	s1 =	sld [smem:$0x3F99];
	s0 =	simm.s32 @p0 $0x1  }
0x13: {  	[smem:$0x3FB4] =	sst s0;
	s0 =	simm.s32 @!p1 $0x0  }
0x14: {  	s2 =	sld [smem:$0x3F98];
	s0 =	simm.s32 @p1 $0x1  }
0x15: {  	[smem:$0x3FB5] =	sst s0;
	s0 =	simm.s32 @!p2 $0x0  }
0x16: {  	s3 =	sld [smem:$0x3FDB];
	s0 =	simm.s32 @p2 $0x1  }
0x17: {  	s4 =	simm.s32 $0x1BF5;
	[smem:$0x3FB7] =	sst s0  }
0x18: {  	s0 =	sld [smem:$0x3F9A];
	_ =	swait.ge [sflag:s4], $0x0  }
0x19: {  	s7 =	sld [smem:$0x3F9B]  }
0x1a: {  	s8 =	sadd.s32 $0xFFFFE003, lr  }
0x1b: {  	s9 =	sadd.s32 $0xFFFFFEF7, lr;
	s5 =	simm.s32 $0xFFFFFFFF;
	p2 =	slt.u32 s8, $0xFFFFF086  }
0x1c: {  	p1 =	slt.u32 s9, $0xF7A;
	s5 =	simm.s32 @!p2 $0x0  }
0x1d: {  	s5 =	simm.s32 @p1 $0x1;
	p0 =	seq.s32 s7, s2  }
0x1e: {  	s7 =	smul.u32 @!p0 $0xF7A, s2;
	p2 =	seq.s32 @!p0 s5, $0x0  }
0x1f: {  	s9 =	smul.u32 $0xF7A, s1;
	s8 =	simm.s32 @!p0 $0x1BF5;
	p2 =	por !p2, p0  }
0x20: {  	[sflag:s8] =	ssyncset.s32 @!p0 $0xFFFFF086;
	s6 =	sadd.s32 @!p0 s3, s7;
	s7 =	simm.s32 @!p0 $0x108  }
0x21: {  	s3 =	sadd.s32 s3, s9;
	s6 =	sadd.s32 @!p0 $0x88, s6;
	s7 =	simm.s32 @p2 $0x1082  }
0x22: {  	[simem:s7], [sflag:s8] =	dma.local @!p0 [hbm:s6], $0xF7A  }
0x23: {  	s9 =	sor.u32 $0xD0000000, s2;
	s6 =	simm.s32 $0x108;
	_ =	swait.ge @!p0 [sflag:s8], $0x0  }
0x24: {  	s3 =	sadd.s32 $0x88, s3;
	s6 =	simm.s32 @!p1 $0x1082;
	[sflag:s4] =	ssyncset.s32 $0xFFFFF086  }
0x25: {  	[simem:s6], [sflag:s4] =	dma.local [hbm:s3], $0xF7A  }
0x26: {  	[smem:$0x3F9B] =	sst s1;
	(tag) =	ssettag s2;
	_ =	strace s9  }
0x27: {  	s1 =	sld [smem:$0x3FAB]  }
0x28: {  	s2 =	sld [smem:$0x3FAC]  }
0x29: {  	s4 =	sld [smem:$0x3FAE]  }
0x2a: {  	p0 =	seq.s32 s5, $0x0;
	s5 =	sld [smem:$0x3FAF]  }
0x2b: {  	s6 =	sld [smem:$0x3FB0]  }
0x2c: {  	s7 =	sld [smem:$0x3FB1]  }
0x2d: {  	s3 =	simm.s32 $0x108;
	s8 =	sld [smem:$0x3FB2]  }
0x2e: {  	s3 =	simm.s32 @!p0 $0x1082;
	s9 =	sld [smem:$0x3FB3]  }
0x2f: {  	lr =	sadd.s32 s0, s3;
	s0 =	sld [smem:$0x3FAA]  }
0x30: {  	s3 =	sld [smem:$0x3FAD]  }
0x31: {  	[smem:$0x3FB6] =	sst s10  }
0x32: {  	s10 =	sld [smem:$0x3FB4];
	_ =	sdelay $0x3  }
0x33: {  	p0 =	seq.s32 s10, $0x1;
	s10 =	sld [smem:$0x3FB6];
	_ =	sdelay $0x3  }
0x34: {  	[smem:$0x3FB6] =	sst s10  }
0x35: {  	s10 =	sld [smem:$0x3FB5];
	_ =	sdelay $0x3  }
0x36: {  	p1 =	seq.s32 s10, $0x1;
	s10 =	sld [smem:$0x3FB6];
	_ =	sdelay $0x3  }
0x37: {  	[smem:$0x3FB6] =	sst s10  }
0x38: {  	s10 =	sld [smem:$0x3FB7]  }
0x39: {  	_ = 	snop;
	(pc) =	sbr.ind lr, $3  }
0x3a: {  	_ = 	snop  }
0x3b: {  	_ = 	snop  }
0x3c: {  	p2 =	seq.s32 s10, $0x1;
	s10 =	sld [smem:$0x3FB6]  }
0x3d: {  	_ =	shalt  }
0x3e: {  	_ =	shalt  }
0x3f: {  	_ =	shalt  }
0x40: {  	_ =	shalt  }
0x41: {  	_ =	shalt  }
0x42: {  	_ =	shalt  }
0x43: {  	_ =	shalt  }
0x44: {  	_ =	shalt  }
0x45: {  	_ =	shalt  }
0x46: {  	_ =	shalt  }
0x47: {  	_ =	shalt  }
0x48: {  	_ =	shalt  }
0x49: {  	_ =	shalt  }
0x4a: {  	_ =	shalt  }
0x4b: {  	_ =	shalt  }
0x4c: {  	_ =	shalt  }
0x4d: {  	_ =	shalt  }
0x4e: {  	_ =	shalt  }
0x4f: {  	_ =	shalt  }
0x50: {  	_ =	shalt  }
0x51: {  	_ =	shalt  }
0x52: {  	_ =	shalt  }
0x53: {  	_ =	shalt  }
0x54: {  	_ =	shalt  }
0x55: {  	_ =	shalt  }
0x56: {  	_ =	shalt  }
0x57: {  	_ =	shalt  }
0x58: {  	_ =	shalt  }
0x59: {  	_ =	shalt  }
0x5a: {  	_ =	shalt  }
0x5b: {  	_ =	shalt  }
0x5c: {  	_ =	shalt  }
0x5d: {  	_ =	shalt  }
0x5e: {  	_ =	shalt  }
0x5f: {  	_ =	shalt  }
0x60: {  	_ =	shalt  }
0x61: {  	_ =	shalt  }
0x62: {  	_ =	shalt  }
0x63: {  	_ =	shalt  }
0x64: {  	_ =	shalt  }
0x65: {  	_ =	shalt  }
0x66: {  	_ =	shalt  }
0x67: {  	_ =	shalt  }
0x68: {  	_ =	shalt  }
0x69: {  	_ =	shalt  }
0x6a: {  	_ =	shalt  }
0x6b: {  	_ =	shalt  }
0x6c: {  	_ =	shalt  }
0x6d: {  	_ =	shalt  }
0x6e: {  	_ =	shalt  }
0x6f: {  	_ =	shalt  }
0x70: {  	_ =	shalt  }
0x71: {  	_ =	shalt  }
0x72: {  	_ =	shalt  }
0x73: {  	_ =	shalt  }
0x74: {  	_ =	shalt  }
0x75: {  	_ =	shalt  }
0x76: {  	_ =	shalt  }
0x77: {  	_ =	shalt  }
0x78: {  	_ =	shalt  }
0x79: {  	_ =	shalt  }
0x7a: {  	_ =	shalt  }
0x7b: {  	_ =	shalt  }
0x7c: {  	_ =	shalt  }
0x7d: {  	_ =	shalt  }
0x7e: {  	_ =	shalt  }
0x7f: {  	_ =	shalt  }
0x80: {  	_ =	shalt  }
0x81: {  	_ =	shalt  }
0x82: {  	_ =	shalt  }
0x83: {  	_ =	shalt  }
0x84: {  	_ =	shalt  }
0x85: {  	_ =	shalt  }
0x86: {  	_ =	shalt  }
0x87: {  	_ =	shalt  }
.Lfunc_end0:
.L_simem_size_0:
called_computation.1_lowered:
.L_overlay_start_0:
0x88: {  	s2 =	sld [smem:$0x3FD9]  }
0x89: {  	s3 =	sld [smem:$0x3FFE];
	_ =	sdelay $0x1  }
0x8a: {  	s1 =	srdreg.scid  }
0x8b: {  	s0 =	sand.u32 $0x1, s1  }
0x8c: {  	s17 =	sshll.u32 s0, $0xA;
	s2 =	sadd.s32 s3, s2  }
0x8d: {  	s2 =	sadd.s32 s2, s17  }
0x8e: {  	[smem:$0x3FC2] =	sst s2  }
0x8f: {  	_ = 	snop  }
0x90: {  	s2 =	sld [smem:$0x3FD0];
	(tm) =	ssettm $0x1  }
0x91: {  	s18 =	sld [smem:$0x3FFB];
	_ =	sdelay $0x3  }
0x92: {  	_ =	strace s18  }
0x93: {  	s3 =	sld [smem:$0x3FFC];
	_ =	sdelay $0x3  }
0x94: {  	_ =	strace s3  }
0x95: {  	s3 =	sld [smem:$0x3FFD];
	_ =	sdelay $0x3  }
0x96: {  	_ =	strace s3  }
0x97: {  	_ =	strace $0x8FFFFFFF  }
0x98: {  	s19 =	sld [smem:$0x3FDB];
	_ =	sdelay $0x1  }
0x99: {  	s4 =	simm.s32 $_scs_section_size  }
0x9a: {  	s5 =	simm.s32 $_size__tile_overlayer_lowered;
	s6 =	simm.s32 $_tile_overlayer_lowered  }
0x9b: {  	s22 =	simm.s32 $0x1BFF;
	s21 =	sshll.u32 s6, $0x1;
	s3 =	sadd.s32 s4, s19  }
0x9c: {  	s7 =	simm.s32 $0x0;
	s20 =	sshll.u32 s5, $0x1;
	s5 =	sadd.s32 s21, s3  }
0x9d: {  	[timem:s7], [sflag:s22] =	dma.local [hbm:s5], s20  }
0x9e: {  	_ =	swait.ge [sflag:s22], s20  }
0x9f: {  	s4 =	ssub.s32 $0x0, s20;
	[sflag:s22] =	ssyncset.done $0x0  }
0xa0: {  	[sflag:s22] =	ssyncadd.s32 s4;
	_ =	sdelay $0x1  }
0xa1: {  	s23 =	simm.s32 $0x1B8B  }
0xa2: {  	_ =	swait.ge [sflag:s23], $0x1  }
0xa3: {  	[sflag:s23] =	ssyncset.done $0x0  }
0xa4: {  	s25 =	simm.s32 $0x1B8E;
	s24 =	sld [smem:$0x3FFE];
	[sflag:s23] =	ssyncadd.s32 $0xFFFFFFFF  }
0xa5: {  	s26 =	simm.s32 $execute0_lowered;
	[smem:$0x3FD2] =	sst s25  }
0xa6: {  	s5 =	sshll.u32 s26, $0x1;
	_ =	strace $0x80000049;
	[dreg:$0x1] =	wrdreg $0xFFFFFFFF  }
0xa7: {  	s28 =	simm.s32 $_size_execute0_lowered;
	s3 =	sadd.s32 s3, s5;
	[dreg:$0x0] =	wrdreg $0x0  }
0xa8: {  	s5 =	sshll.u32 s28, $0x1;
	[dreg:$0x2] =	wrdreg s3  }
0xa9: {  	[dreg:$0x3] =	wrdreg s5  }
0xaa: {  	[dreg:$0x4] =	wrdreg $0xC0  }
0xab: {  	_ =	task [dreg:s7], $0x5FFFF  }
0xac: {  	[dreg:$0x1] =	wrdreg $0xFFFFFFFF  }
0xad: {  	[dreg:$0x0] =	wrdreg $0x60  }
0xae: {  	[dreg:$0x2] =	wrdreg s24  }
0xaf: {  	[dreg:$0x3] =	wrdreg s2  }
0xb0: {  	[dreg:$0x4] =	wrdreg $0x130000  }
0xb1: {  	[dreg:$0x5] =	wrdreg $0x9  }
0xb2: {  	_ =	task.clear_ibuf [dreg:s7], $0x6FFFF;
	_ =	strace $0x90000049  }
0xb3: {  	s29 =	simm.s32 $0x9;
	_ =	strace $0x8000004B  }
0xb4: {  	_ =	swait.ge [sflag:s29], $0x1  }
0xb5: {  	[sflag:s29] =	ssyncadd.s32 $0xFFFFFFFF  }
0xb6: {  	_ =	strace $0x9000004B  }
0xb7: {  	_ =	sfence  }
0xb8: {  	s30 =	sld [smem:$0x0];
	_ =	sdelay $0x2  }
0xb9: {  	s31 =	sshll.u32 s1, $0xD;
	s1 =	sshrl.u32 s1, $0x2  }
0xba: {  	s3 =	sand.u32 $0x4000, s31;
	s1 =	sadd.s32 s1, s30  }
0xbb: {  	s0 =	sor.u32 s3, s0;
	s1 =	sshll.u32 s1, $0x11  }
0xbc: {  	s0 =	sor.u32 s1, s0  }
0xbd: {  	s0 =	sadd.s32 $0x8F2B, s0  }
0xbe: {  	[sflag:s0] =	ssyncadd.remote.s32 $0x1  }
0xbf: {  	_ =	sfence.sel $0xFFFF  }
0xc0: {  	[dreg:$0x0] =	wrdreg $0xFFFFFFFF;
	(pc) =	sbr.abs _section_cstart, $3  }
0xc1: {  	[dreg:$0x1] =	wrdreg $0xFFFFFFFF  }
0xc2: {  	_ =	task.clear_ibuf [dreg:s7], $0x2FFFF;
	_ =	strace $0x9FFFFFFF  }
0xc3: {  	(tm) =	ssettm $0x7FFFFFFF  }
tec
execute0_lowered:
.L_overlay_start_1:
0x0: {  	(tag) =	ssettag $0x1  }
0x1: {  	s5 =	rddreg [dreg:$0x0]  }
0x2: {  	s7 =	rddreg [dreg:$0x1]  }
0x3: {  	s2 =	rddreg [dreg:$0x2]  }
0x4: {  	s0 =	rddreg [dreg:$0x3];
	s4 =	srdreg.scid  }
0x5: {  	s1 =	stileid.u32;
	s3 =	simm.s32 $0x0;
	s13 =	simm.s32 $0x80  }
0x6: {  	s14 =	simm.s32 $0x5000;
	s15 =	simm.s32 $0x7000;
	s16 =	simm.s32 $0x2  }
0x7: {  	s17 =	simm.s32 $0x1;
	s18 =	simm.s32 $0x4F80;
	s19 =	simm.s32 $0x0  }
0x8: {  	s4 =	sand.u32 $0x1, s4;
	s6 =	smul.u32 $0xA000, s1;
	[smem:$0x7FF] =	sst s3  }
0x9: {  	s8 =	sshll.u32 s1, $0x1;
	s9 =	smul.u32 $0xA0000, s4;
	_ =	strace $0x8000004A  }
0xa: {  	s8 =	sor.u32 s4, s8;
	s10 =	ssub.s32 $0x2, s4;
	s4 =	sadd.s32 $0xB800, s5  }
0xb: {  	s8 =	smul.u32 $0x500, s8;
	s11 =	sshrl.u32 s10, $0x1;
	s9 =	sadd.s32 s6, s9  }
0xc: {  	s10 =	ssub.s32 s10, s11;
	s11 =	simm.s32 $0x3;
	s9 =	sshrl.u32 s9, $0x3  }
0xd: {  	s12 =	sadd.s32 s8, s5;
	s7 =	sadd.s32 s7, s8;
	s9 =	sadd.s32 s9, s5  }
0xe: {  	s5 =	sadd.s32 s6, s2;
	s6 =	sadd.s32 $0x1800, s12;
	s12 =	simm.s32 $0x2800  }
0xf: {  	v0 =	vimm.f32 $0.0e+00;
	s8 =	sadd.s32 $0x1F800, s9;
	s9 =	smax.u32 s10, $0x1;
	s10 =	simm.s32 $0x9000  }
.LBB2_1:
0x10: {  	s21 =	simm.s32 $0x100;
	s20 =	simm.s32 $0x0  }
.LBB2_2:
0x11: {  	p0 =	sne.s32 s21, $0x27F00;
	[tilespmem:s20+$0x9030] =	vst v0;
	s22 =	smov.u32 s21;
	s21 =	sadd.s32 $0x100, s21  }
.Ltmp0:
0x12: {  	[tilespmem:s20+$0x9020] =	vst v0;
	(pc) =	sbr.rel @p0 .LBB2_2-.Ltmp0, $3  }
0x13: {  	[tilespmem:s20+$0x9000] =	vst v0  }
0x14: {  	[tilespmem:s20+$0x9010] =	vst v0;
	_ =	sdelay $0x1  }
0x15: {  	s20 =	sshra.s32 s22, $0x2  }
0x16: {  	[tilespmem:s20+$0x9030] =	vst v0  }
0x17: {  	[tilespmem:s20+$0x9020] =	vst v0  }
0x18: {  	[tilespmem:s20+$0x9000] =	vst v0  }
0x19: {  	[tilespmem:s20+$0x9010] =	vst v0  }
0x1a: {  	[spmem:s5] =	stream.linear.scatter [tilespmem:s10], [sflag:$0x3], $0xA000, $0x38;
	[tilespmem:$0x1D000] =	vst v63  }
0x1b: {  	_ =	swait.ge [sflag:s11], $0xA000  }
0x1c: {  	[sflag:s11] =	ssyncset.done $0x0  }
0x1d: {  	[sflag:s11] =	ssyncadd.s32 $0xFFFF6000  }
0x1e: {  	[tilespmem:s3], [sflag:$0x3] =	stream.linear.gather [hbm4b:s6+s3], $0x2800, $0x38;
	[tilespmem:$0x1D000] =	vst v63  }
0x1f: {  	_ =	swait.ge [sflag:s11], $0x2800  }
0x20: {  	[sflag:s11] =	ssyncset.done $0x0  }
0x21: {  	[sflag:s11] =	ssyncadd.s32 $0xFFFFD800  }
0x22: {  	[tilespmem:s12], [sflag:$0x3] =	stream.linear.gather [hbm4b:s7+s3], $0x2800, $0x38;
	[tilespmem:$0x1D000] =	vst v63  }
0x23: {  	_ =	swait.ge [sflag:s11], $0x2800  }
0x24: {  	[sflag:s11] =	ssyncset.done $0x0  }
0x25: {  	[sflag:s11] =	ssyncadd.s32 $0xFFFFD800  }
0x26: {  	s28 =	simm.s32 $0x1;
	[bflag:$0x0] =	sbarrier.arrive $0xFFFF  }
0x27: {  	[tilespmem:s14], [sflag:$0x1] =	stream.indirect.gather [hbm4b:s4+s13], $0x40, s3, s13, $0xb8;
	[tilespmem:$0x1D000] =	vst v63  }
0x28: {  	_ =	swait.ge [sflag:s28], $0x2000  }
0x29: {  	[sflag:s28] =	ssyncset.done $0x0  }
0x2a: {  	[sflag:s28] =	ssyncadd.s32 $0xFFFFE000  }
0x2b: {  	[tilespmem:s15], [sflag:$0x1] =	stream.indirect.gather [hbm4b:s4+s13], $0x40, s13, s13, $0xb8;
	[tilespmem:$0x1D000] =	vst v63  }
0x2c: {  	_ = 	snop  }
0x2d: {  	[spmem:s2] =	stream.indirect.scatter.add.f32 [tilespmem:s14], [sflag:$0x2], $0x40, s12, s13, $0xb8;
	[tilespmem:$0x1D000] =	vst v63  }
0x2e: {  	_ =	swait.ge [sflag:s28], $0x2000  }
0x2f: {  	[sflag:s28] =	ssyncset.done $0x0  }
0x30: {  	[sflag:s28] =	ssyncadd.s32 $0xFFFFE000  }
0x31: {  	s29 =	simm.s32 $0x2000;
	_ =	swait.ge [sflag:s16], $0x2000  }
0x32: {  	s20 =	sand.u32 $0x2000, s29;
	[sflag:s16] =	ssyncset.done $0x0  }
0x33: {  	s21 =	simm.s32 $0x100;
	s22 =	sxor.u32 $0x7000, s20;
	[sflag:s16] =	ssyncadd.s32 $0xFFFFE000  }
0x34: {  	[tilespmem:s22], [sflag:$0x1] =	stream.indirect.gather [hbm4b:s4+s13], $0x40, s21, s13, $0xb8;
	[tilespmem:$0x1D000] =	vst v63  }
0x35: {  	s30 =	simm.s32 $0x2880;
	s20 =	sor.u32 $0x5000, s20  }
0x36: {  	[spmem:s2] =	stream.indirect.scatter.add.f32 [tilespmem:s20], [sflag:$0x2], $0x40, s30, s13, $0xb8;
	[tilespmem:$0x1D000] =	vst v63  }
0x37: {  	_ =	swait.ge [sflag:s17], $0x2000  }
0x38: {  	[sflag:s17] =	ssyncset.done $0x0  }
0x39: {  	s31 =	simm.s32 $0x4000;
	[sflag:s17] =	ssyncadd.s32 $0xFFFFE000  }
0x3a: {  	s23 =	simm.s32 $0x3;
	s22 =	sand.u32 $0x2000, s31;
	_ =	swait.ge [sflag:s16], $0x2000  }
0x3b: {  	s21 =	simm.s32 $0x2900;
	s20 =	simm.s32 $0x180;
	[sflag:s16] =	ssyncset.done $0x0  }
.LBB2_4:
0x3c: {  	s24 =	sxor.u32 $0x7000, s22  }
0x3d: {  	[sflag:s16] =	ssyncadd.s32 $0xFFFFE000;
	s25 =	smov.u32 s23;
	s26 =	sadd.s32 $0x1, s23  }
0x3e: {  	[tilespmem:s24], [sflag:$0x1] =	stream.indirect.gather [hbm4b:s4+s13], $0x40, s20, s13, $0xb8;
	[tilespmem:$0x1D000] =	vst v63  }
0x3f: {  	p0 =	sne.s32 s23, $0x4E;
	s22 =	sor.u32 $0x5000, s22  }
0x40: {  	[spmem:s2] =	stream.indirect.scatter.add.f32 [tilespmem:s22], [sflag:$0x2], $0x40, s21, s13, $0xb8;
	[tilespmem:$0x1D000] =	vst v63  }
.Ltmp1:
0x41: {  	_ =	swait.ge [sflag:s17], $0x2000;
	(pc) =	sbr.rel @p0 .LBB2_4-.Ltmp1, $4  }
0x42: {  	[sflag:s17] =	ssyncset.done $0x0  }
0x43: {  	s20 =	sadd.s32 $0x80, s20;
	[sflag:s17] =	ssyncadd.s32 $0xFFFFE000  }
0x44: {  	s23 =	smov.u32 s26;
	s22 =	sshll.u32 s25, $0xD;
	_ =	swait.ge [sflag:s16], $0x2000  }
0x45: {  	s21 =	sadd.s32 $0x80, s21;
	s22 =	sand.u32 $0x2000, s22;
	[sflag:s16] =	ssyncset.done $0x0  }
0x46: {  	s23 =	sxor.u32 $0x7000, s22;
	[sflag:s16] =	ssyncadd.s32 $0xFFFFE000  }
0x47: {  	[tilespmem:s23], [sflag:$0x1] =	stream.indirect.gather [hbm4b:s4+s13], $0x40, s20, s13, $0xb8;
	[tilespmem:$0x1D000] =	vst v63  }
0x48: {  	s29 =	sor.u32 $0x5000, s22  }
0x49: {  	[spmem:s2] =	stream.indirect.scatter.add.f32 [tilespmem:s29], [sflag:$0x2], $0x40, s21, s13, $0xb8;
	[tilespmem:$0x1D000] =	vst v63  }
0x4a: {  	_ =	swait.ge [sflag:s17], $0x2000  }
0x4b: {  	[sflag:s17] =	ssyncset.done $0x0  }
0x4c: {  	[sflag:s17] =	ssyncadd.s32 $0xFFFFE000  }
0x4d: {  	_ =	swait.ge [sflag:s16], $0x2000  }
0x4e: {  	[sflag:s16] =	ssyncset.done $0x0  }
0x4f: {  	[sflag:s16] =	ssyncadd.s32 $0xFFFFE000  }
0x50: {  	[spmem:s2] =	stream.indirect.scatter.add.f32 [tilespmem:s15], [sflag:$0x2], $0x40, s18, s13, $0xb8;
	[tilespmem:$0x1D000] =	vst v63  }
0x51: {  	_ =	swait.ge [sflag:s16], $0x2000  }
0x52: {  	s30 =	sshll.u32 s1, $0x6;
	s19 =	sadd.s32 $0x1, s19;
	[sflag:s16] =	ssyncset.done $0x0  }
0x53: {  	s31 =	sshrl.u32 s5, $0x3;
	p0 =	sne.s32 s19, s9;
	[sflag:s16] =	ssyncadd.s32 $0xFFFFE000  }
.Ltmp2:
0x54: {  	s20 =	sor.u32 $0x1C03, s30;
	[bflag:$0x0] =	sbarrier.arrive $0xFFFF;
	(pc) =	sbr.rel @p0 .LBB2_1-.Ltmp2, $4  }
0x55: {  	[hbm:s8], [sflag:s20] =	dma.local [spmem:s31], $0x1400  }
0x56: {  	_ =	swait.ge [sflag:s11], $0x1400  }
0x57: {  	[sflag:s11] =	ssyncset.done $0x0  }
0x58: {  	[sflag:s11] =	ssyncadd.s32 $0xFFFFEC00  }
0x59: {  	_ =	sfence.sel $0x180000  }
0x5a: {  	[bflag:$0x0] =	sbarrier.arrive $0xFFFF  }
0x5b: {  	p0 =	sne.s32 s1, $0x0;
	_ =	strace $0x9000004A  }
0x5c: {  	s0 =	sadd.s32 @!p0 $0x100000, s0;
	[bflag:$0x2] =	sbarrier.arrive $0xFFFF  }
0x5d: {  	[sflag:s0] =	ssyncadd.tile.s32 @!p0 $0x1;
	_ =	shalt  }
.Lfunc_end2:
_tile_overlayer_lowered:
.L_overlay_start_2:
0x5e: {  	(tag) =	ssettag $0x2  }
0x5f: {  	s0 =	rddreg [dreg:$0x0];
	s2 =	stileid.u32  }
0x60: {  	s1 =	rddreg [dreg:$0x1];
	p0 =	sne.s32 s2, $0x0  }
0x61: {  	s3 =	rddreg [dreg:$0x2];
	[bflag:$0x3] =	sbarrier.arrive $0xFFFF;
	s2 =	simm.s32 @!p0 $0x1C03  }
0x62: {  	[timem:s3], [sflag:s2] =	dma.local @!p0 [hbm:s0], s1  }
0x63: {  	s0 =	simm.s32 @!p0 $0x3  }
0x64: {  	_ =	swait.ge @!p0 [sflag:s0], s1  }
0x65: {  	s1 =	ssub.s32 @!p0 $0x0, s1;
	[sflag:s0] =	ssyncset.done @!p0 $0x0  }
0x66: {  	[sflag:s0] =	ssyncadd.s32 @!p0 s1  }
0x67: {  	[bflag:$0x3] =	sbarrier.arrive $0xFFFF  }
0x68: {  	_ =	shalt  }

// kernel: kernel.14.cloned.1.call-start
scs
__scs_entry_jumppad:
0x0: {  	(pc) =	sbr.rel $0x88, $3  }
0x1: {  	(tag) =	ssettag $0x0;
	lr =	simm.s32 $0x1  }
0x2: {  	[smem:$0x3F9B] =	sst lr;
	_ =	strace $0xD0000000  }
0x3: {  	_ = 	snop  }
0x4: {  	_ = 	snop  }
0x5: {  	_ = 	snop  }
0x6: {  	_ = 	snop  }
0x7: {  	_ = 	snop  }
__scs_overlays_trampoline_lowered:
0x8: {  	[smem:$0x3FAA] =	sst s0  }
0x9: {  	[smem:$0x3FAB] =	sst s1  }
0xa: {  	[smem:$0x3FAC] =	sst s2  }
0xb: {  	[smem:$0x3FAD] =	sst s3  }
0xc: {  	[smem:$0x3FAE] =	sst s4  }
0xd: {  	[smem:$0x3FAF] =	sst s5  }
0xe: {  	[smem:$0x3FB0] =	sst s6  }
0xf: {  	[smem:$0x3FB1] =	sst s7  }
0x10: {  	[smem:$0x3FB2] =	sst s8  }
0x11: {  	[smem:$0x3FB3] =	sst s9;
	s0 =	simm.s32 @!p0 $0x0  }
0x12: {  	s1 =	sld [smem:$0x3F99];
	s0 =	simm.s32 @p0 $0x1  }
0x13: {  	[smem:$0x3FB4] =	sst s0;
	s0 =	simm.s32 @!p1 $0x0  }
0x14: {  	s2 =	sld [smem:$0x3F98];
	s0 =	simm.s32 @p1 $0x1  }
0x15: {  	[smem:$0x3FB5] =	sst s0;
	s0 =	simm.s32 @!p2 $0x0  }
0x16: {  	s3 =	sld [smem:$0x3FDB];
	s0 =	simm.s32 @p2 $0x1  }
0x17: {  	s4 =	simm.s32 $0x1BF5;
	[smem:$0x3FB7] =	sst s0  }
0x18: {  	s0 =	sld [smem:$0x3F9A];
	_ =	swait.ge [sflag:s4], $0x0  }
0x19: {  	s7 =	sld [smem:$0x3F9B]  }
0x1a: {  	s8 =	sadd.s32 $0xFFFFE003, lr  }
0x1b: {  	s9 =	sadd.s32 $0xFFFFFEF7, lr;
	s5 =	simm.s32 $0xFFFFFFFF;
	p2 =	slt.u32 s8, $0xFFFFF086  }
0x1c: {  	p1 =	slt.u32 s9, $0xF7A;
	s5 =	simm.s32 @!p2 $0x0  }
0x1d: {  	s5 =	simm.s32 @p1 $0x1;
	p0 =	seq.s32 s7, s2  }
0x1e: {  	s7 =	smul.u32 @!p0 $0xF7A, s2;
	p2 =	seq.s32 @!p0 s5, $0x0  }
0x1f: {  	s9 =	smul.u32 $0xF7A, s1;
	s8 =	simm.s32 @!p0 $0x1BF5;
	p2 =	por !p2, p0  }
0x20: {  	[sflag:s8] =	ssyncset.s32 @!p0 $0xFFFFF086;
	s6 =	sadd.s32 @!p0 s3, s7;
	s7 =	simm.s32 @!p0 $0x108  }
0x21: {  	s3 =	sadd.s32 s3, s9;
	s6 =	sadd.s32 @!p0 $0x88, s6;
	s7 =	simm.s32 @p2 $0x1082  }
0x22: {  	[simem:s7], [sflag:s8] =	dma.local @!p0 [hbm:s6], $0xF7A  }
0x23: {  	s9 =	sor.u32 $0xD0000000, s2;
	s6 =	simm.s32 $0x108;
	_ =	swait.ge @!p0 [sflag:s8], $0x0  }
0x24: {  	s3 =	sadd.s32 $0x88, s3;
	s6 =	simm.s32 @!p1 $0x1082;
	[sflag:s4] =	ssyncset.s32 $0xFFFFF086  }
0x25: {  	[simem:s6], [sflag:s4] =	dma.local [hbm:s3], $0xF7A  }
0x26: {  	[smem:$0x3F9B] =	sst s1;
	(tag) =	ssettag s2;
	_ =	strace s9  }
0x27: {  	s1 =	sld [smem:$0x3FAB]  }
0x28: {  	s2 =	sld [smem:$0x3FAC]  }
0x29: {  	s4 =	sld [smem:$0x3FAE]  }
0x2a: {  	p0 =	seq.s32 s5, $0x0;
	s5 =	sld [smem:$0x3FAF]  }
0x2b: {  	s6 =	sld [smem:$0x3FB0]  }
0x2c: {  	s7 =	sld [smem:$0x3FB1]  }
0x2d: {  	s3 =	simm.s32 $0x108;
	s8 =	sld [smem:$0x3FB2]  }
0x2e: {  	s3 =	simm.s32 @!p0 $0x1082;
	s9 =	sld [smem:$0x3FB3]  }
0x2f: {  	lr =	sadd.s32 s0, s3;
	s0 =	sld [smem:$0x3FAA]  }
0x30: {  	s3 =	sld [smem:$0x3FAD]  }
0x31: {  	[smem:$0x3FB6] =	sst s10  }
0x32: {  	s10 =	sld [smem:$0x3FB4];
	_ =	sdelay $0x3  }
0x33: {  	p0 =	seq.s32 s10, $0x1;
	s10 =	sld [smem:$0x3FB6];
	_ =	sdelay $0x3  }
0x34: {  	[smem:$0x3FB6] =	sst s10  }
0x35: {  	s10 =	sld [smem:$0x3FB5];
	_ =	sdelay $0x3  }
0x36: {  	p1 =	seq.s32 s10, $0x1;
	s10 =	sld [smem:$0x3FB6];
	_ =	sdelay $0x3  }
0x37: {  	[smem:$0x3FB6] =	sst s10  }
0x38: {  	s10 =	sld [smem:$0x3FB7]  }
0x39: {  	_ = 	snop;
	(pc) =	sbr.ind lr, $3  }
0x3a: {  	_ = 	snop  }
0x3b: {  	_ = 	snop  }
0x3c: {  	p2 =	seq.s32 s10, $0x1;
	s10 =	sld [smem:$0x3FB6]  }
0x3d: {  	_ =	shalt  }
0x3e: {  	_ =	shalt  }
0x3f: {  	_ =	shalt  }
0x40: {  	_ =	shalt  }
0x41: {  	_ =	shalt  }
0x42: {  	_ =	shalt  }
0x43: {  	_ =	shalt  }
0x44: {  	_ =	shalt  }
0x45: {  	_ =	shalt  }
0x46: {  	_ =	shalt  }
0x47: {  	_ =	shalt  }
0x48: {  	_ =	shalt  }
0x49: {  	_ =	shalt  }
0x4a: {  	_ =	shalt  }
0x4b: {  	_ =	shalt  }
0x4c: {  	_ =	shalt  }
0x4d: {  	_ =	shalt  }
0x4e: {  	_ =	shalt  }
0x4f: {  	_ =	shalt  }
0x50: {  	_ =	shalt  }
0x51: {  	_ =	shalt  }
0x52: {  	_ =	shalt  }
0x53: {  	_ =	shalt  }
0x54: {  	_ =	shalt  }
0x55: {  	_ =	shalt  }
0x56: {  	_ =	shalt  }
0x57: {  	_ =	shalt  }
0x58: {  	_ =	shalt  }
0x59: {  	_ =	shalt  }
0x5a: {  	_ =	shalt  }
0x5b: {  	_ =	shalt  }
0x5c: {  	_ =	shalt  }
0x5d: {  	_ =	shalt  }
0x5e: {  	_ =	shalt  }
0x5f: {  	_ =	shalt  }
0x60: {  	_ =	shalt  }
0x61: {  	_ =	shalt  }
0x62: {  	_ =	shalt  }
0x63: {  	_ =	shalt  }
0x64: {  	_ =	shalt  }
0x65: {  	_ =	shalt  }
0x66: {  	_ =	shalt  }
0x67: {  	_ =	shalt  }
0x68: {  	_ =	shalt  }
0x69: {  	_ =	shalt  }
0x6a: {  	_ =	shalt  }
0x6b: {  	_ =	shalt  }
0x6c: {  	_ =	shalt  }
0x6d: {  	_ =	shalt  }
0x6e: {  	_ =	shalt  }
0x6f: {  	_ =	shalt  }
0x70: {  	_ =	shalt  }
0x71: {  	_ =	shalt  }
0x72: {  	_ =	shalt  }
0x73: {  	_ =	shalt  }
0x74: {  	_ =	shalt  }
0x75: {  	_ =	shalt  }
0x76: {  	_ =	shalt  }
0x77: {  	_ =	shalt  }
0x78: {  	_ =	shalt  }
0x79: {  	_ =	shalt  }
0x7a: {  	_ =	shalt  }
0x7b: {  	_ =	shalt  }
0x7c: {  	_ =	shalt  }
0x7d: {  	_ =	shalt  }
0x7e: {  	_ =	shalt  }
0x7f: {  	_ =	shalt  }
0x80: {  	_ =	shalt  }
0x81: {  	_ =	shalt  }
0x82: {  	_ =	shalt  }
0x83: {  	_ =	shalt  }
0x84: {  	_ =	shalt  }
0x85: {  	_ =	shalt  }
0x86: {  	_ =	shalt  }
0x87: {  	_ =	shalt  }
.Lfunc_end0:
.L_simem_size_0:
called_computation.2_lowered:
.L_overlay_start_0:
0x88: {  	s2 =	sld [smem:$0x3FD9]  }
0x89: {  	s3 =	sld [smem:$0x3FFE];
	_ =	sdelay $0x1  }
0x8a: {  	s1 =	srdreg.scid  }
0x8b: {  	s0 =	sand.u32 $0x1, s1  }
0x8c: {  	s17 =	sshll.u32 s0, $0xA;
	s2 =	sadd.s32 s3, s2  }
0x8d: {  	s2 =	sadd.s32 s2, s17  }
0x8e: {  	[smem:$0x3FC2] =	sst s2  }
0x8f: {  	_ = 	snop  }
0x90: {  	s2 =	sld [smem:$0x3FD0];
	(tm) =	ssettm $0x1  }
0x91: {  	s18 =	sld [smem:$0x3FFB];
	_ =	sdelay $0x3  }
0x92: {  	_ =	strace s18  }
0x93: {  	s3 =	sld [smem:$0x3FFC];
	_ =	sdelay $0x3  }
0x94: {  	_ =	strace s3  }
0x95: {  	s3 =	sld [smem:$0x3FFD];
	_ =	sdelay $0x3  }
0x96: {  	_ =	strace s3  }
0x97: {  	_ =	strace $0x8FFFFFFF  }
0x98: {  	s19 =	sld [smem:$0x3FDB];
	_ =	sdelay $0x1  }
0x99: {  	s4 =	simm.s32 $_scs_section_size  }
0x9a: {  	s5 =	simm.s32 $_size__tile_overlayer_lowered;
	s6 =	simm.s32 $_tile_overlayer_lowered  }
0x9b: {  	s22 =	simm.s32 $0x1BFF;
	s21 =	sshll.u32 s6, $0x1;
	s3 =	sadd.s32 s4, s19  }
0x9c: {  	s7 =	simm.s32 $0x0;
	s20 =	sshll.u32 s5, $0x1;
	s5 =	sadd.s32 s21, s3  }
0x9d: {  	[timem:s7], [sflag:s22] =	dma.local [hbm:s5], s20  }
0x9e: {  	_ =	swait.ge [sflag:s22], s20  }
0x9f: {  	s4 =	ssub.s32 $0x0, s20;
	[sflag:s22] =	ssyncset.done $0x0  }
0xa0: {  	[sflag:s22] =	ssyncadd.s32 s4;
	_ =	sdelay $0x1  }
0xa1: {  	s23 =	simm.s32 $0x1B8B  }
0xa2: {  	_ =	swait.ge [sflag:s23], $0x1  }
0xa3: {  	[sflag:s23] =	ssyncset.done $0x0  }
0xa4: {  	s25 =	simm.s32 $0x1B8E;
	s24 =	sld [smem:$0x3FFE];
	[sflag:s23] =	ssyncadd.s32 $0xFFFFFFFF  }
0xa5: {  	s26 =	simm.s32 $execute0_lowered;
	[smem:$0x3FD2] =	sst s25  }
0xa6: {  	s5 =	sshll.u32 s26, $0x1;
	_ =	strace $0x8000004C;
	[dreg:$0x1] =	wrdreg $0xFFFFFFFF  }
0xa7: {  	s28 =	simm.s32 $_size_execute0_lowered;
	s3 =	sadd.s32 s3, s5;
	[dreg:$0x0] =	wrdreg $0x0  }
0xa8: {  	s5 =	sshll.u32 s28, $0x1;
	[dreg:$0x2] =	wrdreg s3  }
0xa9: {  	[dreg:$0x3] =	wrdreg s5  }
0xaa: {  	[dreg:$0x4] =	wrdreg $0xC0  }
0xab: {  	_ =	task [dreg:s7], $0x5FFFF  }
0xac: {  	[dreg:$0x1] =	wrdreg $0xFFFFFFFF  }
0xad: {  	[dreg:$0x0] =	wrdreg $0x60  }
0xae: {  	[dreg:$0x2] =	wrdreg s24  }
0xaf: {  	[dreg:$0x3] =	wrdreg s2  }
0xb0: {  	[dreg:$0x4] =	wrdreg $0x130000  }
0xb1: {  	[dreg:$0x5] =	wrdreg $0x9  }
0xb2: {  	_ =	task.clear_ibuf [dreg:s7], $0x6FFFF;
	_ =	strace $0x9000004C  }
0xb3: {  	s29 =	simm.s32 $0x9;
	_ =	strace $0x8000004E  }
0xb4: {  	_ =	swait.ge [sflag:s29], $0x1  }
0xb5: {  	[sflag:s29] =	ssyncadd.s32 $0xFFFFFFFF  }
0xb6: {  	_ =	strace $0x9000004E  }
0xb7: {  	_ =	sfence  }
0xb8: {  	s30 =	sld [smem:$0x0];
	_ =	sdelay $0x2  }
0xb9: {  	s31 =	sshll.u32 s1, $0xD;
	s1 =	sshrl.u32 s1, $0x2  }
0xba: {  	s3 =	sand.u32 $0x4000, s31;
	s1 =	sadd.s32 s1, s30  }
0xbb: {  	s0 =	sor.u32 s3, s0;
	s1 =	sshll.u32 s1, $0x11  }
0xbc: {  	s0 =	sor.u32 s1, s0  }
0xbd: {  	s0 =	sadd.s32 $0x8F2B, s0  }
0xbe: {  	[sflag:s0] =	ssyncadd.remote.s32 $0x1  }
0xbf: {  	_ =	sfence.sel $0xFFFF  }
0xc0: {  	[dreg:$0x0] =	wrdreg $0xFFFFFFFF;
	(pc) =	sbr.abs _section_cstart, $3  }
0xc1: {  	[dreg:$0x1] =	wrdreg $0xFFFFFFFF  }
0xc2: {  	_ =	task.clear_ibuf [dreg:s7], $0x2FFFF;
	_ =	strace $0x9FFFFFFF  }
0xc3: {  	(tm) =	ssettm $0x7FFFFFFF  }
tec
execute0_lowered:
.L_overlay_start_1:
0x0: {  	(tag) =	ssettag $0x1  }
0x1: {  	s5 =	rddreg [dreg:$0x0]  }
0x2: {  	s7 =	rddreg [dreg:$0x1]  }
0x3: {  	s2 =	rddreg [dreg:$0x2]  }
0x4: {  	s0 =	rddreg [dreg:$0x3];
	s4 =	srdreg.scid  }
0x5: {  	s1 =	stileid.u32;
	s3 =	simm.s32 $0x0;
	s13 =	simm.s32 $0x80  }
0x6: {  	s14 =	simm.s32 $0x5000;
	s15 =	simm.s32 $0x7000;
	s16 =	simm.s32 $0x2  }
0x7: {  	s17 =	simm.s32 $0x1;
	s18 =	simm.s32 $0x4F80;
	s19 =	simm.s32 $0x0  }
0x8: {  	s4 =	sand.u32 $0x1, s4;
	s6 =	smul.u32 $0xA000, s1;
	[smem:$0x7FF] =	sst s3  }
0x9: {  	s8 =	sshll.u32 s1, $0x1;
	s9 =	smul.u32 $0xA0000, s4;
	_ =	strace $0x8000004D  }
0xa: {  	s8 =	sor.u32 s4, s8;
	s10 =	ssub.s32 $0x2, s4;
	s4 =	sadd.s32 $0xB800, s5  }
0xb: {  	s8 =	smul.u32 $0x500, s8;
	s11 =	sshrl.u32 s10, $0x1;
	s9 =	sadd.s32 s6, s9  }
0xc: {  	s10 =	ssub.s32 s10, s11;
	s11 =	simm.s32 $0x3;
	s9 =	sshrl.u32 s9, $0x3  }
0xd: {  	s12 =	sadd.s32 s8, s5;
	s7 =	sadd.s32 s7, s8;
	s9 =	sadd.s32 s9, s5  }
0xe: {  	s5 =	sadd.s32 s6, s2;
	s6 =	sadd.s32 $0x1800, s12;
	s12 =	simm.s32 $0x2800  }
0xf: {  	v0 =	vimm.f32 $0.0e+00;
	s8 =	sadd.s32 $0x1F800, s9;
	s9 =	smax.u32 s10, $0x1;
	s10 =	simm.s32 $0x9000  }
.LBB2_1:
0x10: {  	s21 =	simm.s32 $0x100;
	s20 =	simm.s32 $0x0  }
.LBB2_2:
0x11: {  	p0 =	sne.s32 s21, $0x27F00;
	[tilespmem:s20+$0x9030] =	vst v0;
	s22 =	smov.u32 s21;
	s21 =	sadd.s32 $0x100, s21  }
.Ltmp0:
0x12: {  	[tilespmem:s20+$0x9020] =	vst v0;
	(pc) =	sbr.rel @p0 .LBB2_2-.Ltmp0, $3  }
0x13: {  	[tilespmem:s20+$0x9000] =	vst v0  }
0x14: {  	[tilespmem:s20+$0x9010] =	vst v0;
	_ =	sdelay $0x1  }
0x15: {  	s20 =	sshra.s32 s22, $0x2  }
0x16: {  	[tilespmem:s20+$0x9030] =	vst v0  }
0x17: {  	[tilespmem:s20+$0x9020] =	vst v0  }
0x18: {  	[tilespmem:s20+$0x9000] =	vst v0  }
0x19: {  	[tilespmem:s20+$0x9010] =	vst v0  }
0x1a: {  	[spmem:s5] =	stream.linear.scatter [tilespmem:s10], [sflag:$0x3], $0xA000, $0x38;
	[tilespmem:$0x1D000] =	vst v63  }
0x1b: {  	_ =	swait.ge [sflag:s11], $0xA000  }
0x1c: {  	[sflag:s11] =	ssyncset.done $0x0  }
0x1d: {  	[sflag:s11] =	ssyncadd.s32 $0xFFFF6000  }
0x1e: {  	[tilespmem:s3], [sflag:$0x3] =	stream.linear.gather [hbm4b:s6+s3], $0x2800, $0x38;
	[tilespmem:$0x1D000] =	vst v63  }
0x1f: {  	_ =	swait.ge [sflag:s11], $0x2800  }
0x20: {  	[sflag:s11] =	ssyncset.done $0x0  }
0x21: {  	[sflag:s11] =	ssyncadd.s32 $0xFFFFD800  }
0x22: {  	[tilespmem:s12], [sflag:$0x3] =	stream.linear.gather [hbm4b:s7+s3], $0x2800, $0x38;
	[tilespmem:$0x1D000] =	vst v63  }
0x23: {  	_ =	swait.ge [sflag:s11], $0x2800  }
0x24: {  	[sflag:s11] =	ssyncset.done $0x0  }
0x25: {  	[sflag:s11] =	ssyncadd.s32 $0xFFFFD800  }
0x26: {  	s28 =	simm.s32 $0x1;
	[bflag:$0x0] =	sbarrier.arrive $0xFFFF  }
0x27: {  	[tilespmem:s14], [sflag:$0x1] =	stream.indirect.gather [hbm4b:s4+s13], $0x40, s3, s13, $0xb8;
	[tilespmem:$0x1D000] =	vst v63  }
0x28: {  	_ =	swait.ge [sflag:s28], $0x2000  }
0x29: {  	[sflag:s28] =	ssyncset.done $0x0  }
0x2a: {  	[sflag:s28] =	ssyncadd.s32 $0xFFFFE000  }
0x2b: {  	[tilespmem:s15], [sflag:$0x1] =	stream.indirect.gather [hbm4b:s4+s13], $0x40, s13, s13, $0xb8;
	[tilespmem:$0x1D000] =	vst v63  }
0x2c: {  	_ = 	snop  }
0x2d: {  	[spmem:s2] =	stream.indirect.scatter.add.f32 [tilespmem:s14], [sflag:$0x2], $0x40, s12, s13, $0xb8;
	[tilespmem:$0x1D000] =	vst v63  }
0x2e: {  	_ =	swait.ge [sflag:s28], $0x2000  }
0x2f: {  	[sflag:s28] =	ssyncset.done $0x0  }
0x30: {  	[sflag:s28] =	ssyncadd.s32 $0xFFFFE000  }
0x31: {  	s29 =	simm.s32 $0x2000;
	_ =	swait.ge [sflag:s16], $0x2000  }
0x32: {  	s20 =	sand.u32 $0x2000, s29;
	[sflag:s16] =	ssyncset.done $0x0  }
0x33: {  	s21 =	simm.s32 $0x100;
	s22 =	sxor.u32 $0x7000, s20;
	[sflag:s16] =	ssyncadd.s32 $0xFFFFE000  }
0x34: {  	[tilespmem:s22], [sflag:$0x1] =	stream.indirect.gather [hbm4b:s4+s13], $0x40, s21, s13, $0xb8;
	[tilespmem:$0x1D000] =	vst v63  }
0x35: {  	s30 =	simm.s32 $0x2880;
	s20 =	sor.u32 $0x5000, s20  }
0x36: {  	[spmem:s2] =	stream.indirect.scatter.add.f32 [tilespmem:s20], [sflag:$0x2], $0x40, s30, s13, $0xb8;
	[tilespmem:$0x1D000] =	vst v63  }
0x37: {  	_ =	swait.ge [sflag:s17], $0x2000  }
0x38: {  	[sflag:s17] =	ssyncset.done $0x0  }
0x39: {  	s31 =	simm.s32 $0x4000;
	[sflag:s17] =	ssyncadd.s32 $0xFFFFE000  }
0x3a: {  	s23 =	simm.s32 $0x3;
	s22 =	sand.u32 $0x2000, s31;
	_ =	swait.ge [sflag:s16], $0x2000  }
0x3b: {  	s21 =	simm.s32 $0x2900;
	s20 =	simm.s32 $0x180;
	[sflag:s16] =	ssyncset.done $0x0  }
.LBB2_4:
0x3c: {  	s24 =	sxor.u32 $0x7000, s22  }
0x3d: {  	[sflag:s16] =	ssyncadd.s32 $0xFFFFE000;
	s25 =	smov.u32 s23;
	s26 =	sadd.s32 $0x1, s23  }
0x3e: {  	[tilespmem:s24], [sflag:$0x1] =	stream.indirect.gather [hbm4b:s4+s13], $0x40, s20, s13, $0xb8;
	[tilespmem:$0x1D000] =	vst v63  }
0x3f: {  	p0 =	sne.s32 s23, $0x4E;
	s22 =	sor.u32 $0x5000, s22  }
0x40: {  	[spmem:s2] =	stream.indirect.scatter.add.f32 [tilespmem:s22], [sflag:$0x2], $0x40, s21, s13, $0xb8;
	[tilespmem:$0x1D000] =	vst v63  }
.Ltmp1:
0x41: {  	_ =	swait.ge [sflag:s17], $0x2000;
	(pc) =	sbr.rel @p0 .LBB2_4-.Ltmp1, $4  }
0x42: {  	[sflag:s17] =	ssyncset.done $0x0  }
0x43: {  	s20 =	sadd.s32 $0x80, s20;
	[sflag:s17] =	ssyncadd.s32 $0xFFFFE000  }
0x44: {  	s23 =	smov.u32 s26;
	s22 =	sshll.u32 s25, $0xD;
	_ =	swait.ge [sflag:s16], $0x2000  }
0x45: {  	s21 =	sadd.s32 $0x80, s21;
	s22 =	sand.u32 $0x2000, s22;
	[sflag:s16] =	ssyncset.done $0x0  }
0x46: {  	s23 =	sxor.u32 $0x7000, s22;
	[sflag:s16] =	ssyncadd.s32 $0xFFFFE000  }
0x47: {  	[tilespmem:s23], [sflag:$0x1] =	stream.indirect.gather [hbm4b:s4+s13], $0x40, s20, s13, $0xb8;
	[tilespmem:$0x1D000] =	vst v63  }
0x48: {  	s29 =	sor.u32 $0x5000, s22  }
0x49: {  	[spmem:s2] =	stream.indirect.scatter.add.f32 [tilespmem:s29], [sflag:$0x2], $0x40, s21, s13, $0xb8;
	[tilespmem:$0x1D000] =	vst v63  }
0x4a: {  	_ =	swait.ge [sflag:s17], $0x2000  }
0x4b: {  	[sflag:s17] =	ssyncset.done $0x0  }
0x4c: {  	[sflag:s17] =	ssyncadd.s32 $0xFFFFE000  }
0x4d: {  	_ =	swait.ge [sflag:s16], $0x2000  }
0x4e: {  	[sflag:s16] =	ssyncset.done $0x0  }
0x4f: {  	[sflag:s16] =	ssyncadd.s32 $0xFFFFE000  }
0x50: {  	[spmem:s2] =	stream.indirect.scatter.add.f32 [tilespmem:s15], [sflag:$0x2], $0x40, s18, s13, $0xb8;
	[tilespmem:$0x1D000] =	vst v63  }
0x51: {  	_ =	swait.ge [sflag:s16], $0x2000  }
0x52: {  	s30 =	sshll.u32 s1, $0x6;
	s19 =	sadd.s32 $0x1, s19;
	[sflag:s16] =	ssyncset.done $0x0  }
0x53: {  	s31 =	sshrl.u32 s5, $0x3;
	p0 =	sne.s32 s19, s9;
	[sflag:s16] =	ssyncadd.s32 $0xFFFFE000  }
.Ltmp2:
0x54: {  	s20 =	sor.u32 $0x1C03, s30;
	[bflag:$0x0] =	sbarrier.arrive $0xFFFF;
	(pc) =	sbr.rel @p0 .LBB2_1-.Ltmp2, $4  }
0x55: {  	[hbm:s8], [sflag:s20] =	dma.local [spmem:s31], $0x1400  }
0x56: {  	_ =	swait.ge [sflag:s11], $0x1400  }
0x57: {  	[sflag:s11] =	ssyncset.done $0x0  }
0x58: {  	[sflag:s11] =	ssyncadd.s32 $0xFFFFEC00  }
0x59: {  	_ =	sfence.sel $0x180000  }
0x5a: {  	[bflag:$0x0] =	sbarrier.arrive $0xFFFF  }
0x5b: {  	p0 =	sne.s32 s1, $0x0;
	_ =	strace $0x9000004D  }
0x5c: {  	s0 =	sadd.s32 @!p0 $0x100000, s0;
	[bflag:$0x2] =	sbarrier.arrive $0xFFFF  }
0x5d: {  	[sflag:s0] =	ssyncadd.tile.s32 @!p0 $0x1;
	_ =	shalt  }
.Lfunc_end2:
_tile_overlayer_lowered:
.L_overlay_start_2:
0x5e: {  	(tag) =	ssettag $0x2  }
0x5f: {  	s0 =	rddreg [dreg:$0x0];
	s2 =	stileid.u32  }
0x60: {  	s1 =	rddreg [dreg:$0x1];
	p0 =	sne.s32 s2, $0x0  }
0x61: {  	s3 =	rddreg [dreg:$0x2];
	[bflag:$0x3] =	sbarrier.arrive $0xFFFF;
	s2 =	simm.s32 @!p0 $0x1C03  }
0x62: {  	[timem:s3], [sflag:s2] =	dma.local @!p0 [hbm:s0], s1  }
0x63: {  	s0 =	simm.s32 @!p0 $0x3  }
0x64: {  	_ =	swait.ge @!p0 [sflag:s0], s1  }
0x65: {  	s1 =	ssub.s32 @!p0 $0x0, s1;
	[sflag:s0] =	ssyncset.done @!p0 $0x0  }
0x66: {  	[sflag:s0] =	ssyncadd.s32 @!p0 s1  }
0x67: {  	[bflag:$0x3] =	sbarrier.arrive $0xFFFF  }
0x68: {  	_ =	shalt  }

// kernel: kernel.8.cloned.1.call-start
scs
__scs_entry_jumppad:
0x0: {  	(pc) =	sbr.rel $0x88, $3  }
0x1: {  	(tag) =	ssettag $0x0;
	lr =	simm.s32 $0x1  }
0x2: {  	[smem:$0x3F9B] =	sst lr;
	_ =	strace $0xD0000000  }
0x3: {  	_ = 	snop  }
0x4: {  	_ = 	snop  }
0x5: {  	_ = 	snop  }
0x6: {  	_ = 	snop  }
0x7: {  	_ = 	snop  }
__scs_overlays_trampoline_lowered:
0x8: {  	[smem:$0x3FAA] =	sst s0  }
0x9: {  	[smem:$0x3FAB] =	sst s1  }
0xa: {  	[smem:$0x3FAC] =	sst s2  }
0xb: {  	[smem:$0x3FAD] =	sst s3  }
0xc: {  	[smem:$0x3FAE] =	sst s4  }
0xd: {  	[smem:$0x3FAF] =	sst s5  }
0xe: {  	[smem:$0x3FB0] =	sst s6  }
0xf: {  	[smem:$0x3FB1] =	sst s7  }
0x10: {  	[smem:$0x3FB2] =	sst s8  }
0x11: {  	[smem:$0x3FB3] =	sst s9;
	s0 =	simm.s32 @!p0 $0x0  }
0x12: {  	s1 =	sld [smem:$0x3F99];
	s0 =	simm.s32 @p0 $0x1  }
0x13: {  	[smem:$0x3FB4] =	sst s0;
	s0 =	simm.s32 @!p1 $0x0  }
0x14: {  	s2 =	sld [smem:$0x3F98];
	s0 =	simm.s32 @p1 $0x1  }
0x15: {  	[smem:$0x3FB5] =	sst s0;
	s0 =	simm.s32 @!p2 $0x0  }
0x16: {  	s3 =	sld [smem:$0x3FDB];
	s0 =	simm.s32 @p2 $0x1  }
0x17: {  	s4 =	simm.s32 $0x1BF5;
	[smem:$0x3FB7] =	sst s0  }
0x18: {  	s0 =	sld [smem:$0x3F9A];
	_ =	swait.ge [sflag:s4], $0x0  }
0x19: {  	s7 =	sld [smem:$0x3F9B]  }
0x1a: {  	s8 =	sadd.s32 $0xFFFFE003, lr  }
0x1b: {  	s9 =	sadd.s32 $0xFFFFFEF7, lr;
	s5 =	simm.s32 $0xFFFFFFFF;
	p2 =	slt.u32 s8, $0xFFFFF086  }
0x1c: {  	p1 =	slt.u32 s9, $0xF7A;
	s5 =	simm.s32 @!p2 $0x0  }
0x1d: {  	s5 =	simm.s32 @p1 $0x1;
	p0 =	seq.s32 s7, s2  }
0x1e: {  	s7 =	smul.u32 @!p0 $0xF7A, s2;
	p2 =	seq.s32 @!p0 s5, $0x0  }
0x1f: {  	s9 =	smul.u32 $0xF7A, s1;
	s8 =	simm.s32 @!p0 $0x1BF5;
	p2 =	por !p2, p0  }
0x20: {  	[sflag:s8] =	ssyncset.s32 @!p0 $0xFFFFF086;
	s6 =	sadd.s32 @!p0 s3, s7;
	s7 =	simm.s32 @!p0 $0x108  }
0x21: {  	s3 =	sadd.s32 s3, s9;
	s6 =	sadd.s32 @!p0 $0x88, s6;
	s7 =	simm.s32 @p2 $0x1082  }
0x22: {  	[simem:s7], [sflag:s8] =	dma.local @!p0 [hbm:s6], $0xF7A  }
0x23: {  	s9 =	sor.u32 $0xD0000000, s2;
	s6 =	simm.s32 $0x108;
	_ =	swait.ge @!p0 [sflag:s8], $0x0  }
0x24: {  	s3 =	sadd.s32 $0x88, s3;
	s6 =	simm.s32 @!p1 $0x1082;
	[sflag:s4] =	ssyncset.s32 $0xFFFFF086  }
0x25: {  	[simem:s6], [sflag:s4] =	dma.local [hbm:s3], $0xF7A  }
0x26: {  	[smem:$0x3F9B] =	sst s1;
	(tag) =	ssettag s2;
	_ =	strace s9  }
0x27: {  	s1 =	sld [smem:$0x3FAB]  }
0x28: {  	s2 =	sld [smem:$0x3FAC]  }
0x29: {  	s4 =	sld [smem:$0x3FAE]  }
0x2a: {  	p0 =	seq.s32 s5, $0x0;
	s5 =	sld [smem:$0x3FAF]  }
0x2b: {  	s6 =	sld [smem:$0x3FB0]  }
0x2c: {  	s7 =	sld [smem:$0x3FB1]  }
0x2d: {  	s3 =	simm.s32 $0x108;
	s8 =	sld [smem:$0x3FB2]  }
0x2e: {  	s3 =	simm.s32 @!p0 $0x1082;
	s9 =	sld [smem:$0x3FB3]  }
0x2f: {  	lr =	sadd.s32 s0, s3;
	s0 =	sld [smem:$0x3FAA]  }
0x30: {  	s3 =	sld [smem:$0x3FAD]  }
0x31: {  	[smem:$0x3FB6] =	sst s10  }
0x32: {  	s10 =	sld [smem:$0x3FB4];
	_ =	sdelay $0x3  }
0x33: {  	p0 =	seq.s32 s10, $0x1;
	s10 =	sld [smem:$0x3FB6];
	_ =	sdelay $0x3  }
0x34: {  	[smem:$0x3FB6] =	sst s10  }
0x35: {  	s10 =	sld [smem:$0x3FB5];
	_ =	sdelay $0x3  }
0x36: {  	p1 =	seq.s32 s10, $0x1;
	s10 =	sld [smem:$0x3FB6];
	_ =	sdelay $0x3  }
0x37: {  	[smem:$0x3FB6] =	sst s10  }
0x38: {  	s10 =	sld [smem:$0x3FB7]  }
0x39: {  	_ = 	snop;
	(pc) =	sbr.ind lr, $3  }
0x3a: {  	_ = 	snop  }
0x3b: {  	_ = 	snop  }
0x3c: {  	p2 =	seq.s32 s10, $0x1;
	s10 =	sld [smem:$0x3FB6]  }
0x3d: {  	_ =	shalt  }
0x3e: {  	_ =	shalt  }
0x3f: {  	_ =	shalt  }
0x40: {  	_ =	shalt  }
0x41: {  	_ =	shalt  }
0x42: {  	_ =	shalt  }
0x43: {  	_ =	shalt  }
0x44: {  	_ =	shalt  }
0x45: {  	_ =	shalt  }
0x46: {  	_ =	shalt  }
0x47: {  	_ =	shalt  }
0x48: {  	_ =	shalt  }
0x49: {  	_ =	shalt  }
0x4a: {  	_ =	shalt  }
0x4b: {  	_ =	shalt  }
0x4c: {  	_ =	shalt  }
0x4d: {  	_ =	shalt  }
0x4e: {  	_ =	shalt  }
0x4f: {  	_ =	shalt  }
0x50: {  	_ =	shalt  }
0x51: {  	_ =	shalt  }
0x52: {  	_ =	shalt  }
0x53: {  	_ =	shalt  }
0x54: {  	_ =	shalt  }
0x55: {  	_ =	shalt  }
0x56: {  	_ =	shalt  }
0x57: {  	_ =	shalt  }
0x58: {  	_ =	shalt  }
0x59: {  	_ =	shalt  }
0x5a: {  	_ =	shalt  }
0x5b: {  	_ =	shalt  }
0x5c: {  	_ =	shalt  }
0x5d: {  	_ =	shalt  }
0x5e: {  	_ =	shalt  }
0x5f: {  	_ =	shalt  }
0x60: {  	_ =	shalt  }
0x61: {  	_ =	shalt  }
0x62: {  	_ =	shalt  }
0x63: {  	_ =	shalt  }
0x64: {  	_ =	shalt  }
0x65: {  	_ =	shalt  }
0x66: {  	_ =	shalt  }
0x67: {  	_ =	shalt  }
0x68: {  	_ =	shalt  }
0x69: {  	_ =	shalt  }
0x6a: {  	_ =	shalt  }
0x6b: {  	_ =	shalt  }
0x6c: {  	_ =	shalt  }
0x6d: {  	_ =	shalt  }
0x6e: {  	_ =	shalt  }
0x6f: {  	_ =	shalt  }
0x70: {  	_ =	shalt  }
0x71: {  	_ =	shalt  }
0x72: {  	_ =	shalt  }
0x73: {  	_ =	shalt  }
0x74: {  	_ =	shalt  }
0x75: {  	_ =	shalt  }
0x76: {  	_ =	shalt  }
0x77: {  	_ =	shalt  }
0x78: {  	_ =	shalt  }
0x79: {  	_ =	shalt  }
0x7a: {  	_ =	shalt  }
0x7b: {  	_ =	shalt  }
0x7c: {  	_ =	shalt  }
0x7d: {  	_ =	shalt  }
0x7e: {  	_ =	shalt  }
0x7f: {  	_ =	shalt  }
0x80: {  	_ =	shalt  }
0x81: {  	_ =	shalt  }
0x82: {  	_ =	shalt  }
0x83: {  	_ =	shalt  }
0x84: {  	_ =	shalt  }
0x85: {  	_ =	shalt  }
0x86: {  	_ =	shalt  }
0x87: {  	_ =	shalt  }
.Lfunc_end0:
.L_simem_size_0:
called_computation_lowered:
.L_overlay_start_0:
0x88: {  	s2 =	sld [smem:$0x3FD9]  }
0x89: {  	s3 =	sld [smem:$0x3FFE];
	_ =	sdelay $0x1  }
0x8a: {  	s1 =	srdreg.scid  }
0x8b: {  	s0 =	sand.u32 $0x1, s1  }
0x8c: {  	s17 =	sshll.u32 s0, $0xA;
	s2 =	sadd.s32 s3, s2  }
0x8d: {  	s2 =	sadd.s32 s2, s17  }
0x8e: {  	[smem:$0x3FC2] =	sst s2  }
0x8f: {  	_ = 	snop  }
0x90: {  	s2 =	sld [smem:$0x3FD0];
	(tm) =	ssettm $0x1  }
0x91: {  	s18 =	sld [smem:$0x3FFB];
	_ =	sdelay $0x3  }
0x92: {  	_ =	strace s18  }
0x93: {  	s3 =	sld [smem:$0x3FFC];
	_ =	sdelay $0x3  }
0x94: {  	_ =	strace s3  }
0x95: {  	s3 =	sld [smem:$0x3FFD];
	_ =	sdelay $0x3  }
0x96: {  	_ =	strace s3  }
0x97: {  	_ =	strace $0x8FFFFFFF  }
0x98: {  	s19 =	sld [smem:$0x3FDB];
	_ =	sdelay $0x1  }
0x99: {  	s4 =	simm.s32 $_scs_section_size  }
0x9a: {  	s5 =	simm.s32 $_size__tile_overlayer_lowered;
	s6 =	simm.s32 $_tile_overlayer_lowered  }
0x9b: {  	s22 =	simm.s32 $0x1BFF;
	s21 =	sshll.u32 s6, $0x1;
	s3 =	sadd.s32 s4, s19  }
0x9c: {  	s7 =	simm.s32 $0x0;
	s20 =	sshll.u32 s5, $0x1;
	s5 =	sadd.s32 s21, s3  }
0x9d: {  	[timem:s7], [sflag:s22] =	dma.local [hbm:s5], s20  }
0x9e: {  	_ =	swait.ge [sflag:s22], s20  }
0x9f: {  	s4 =	ssub.s32 $0x0, s20;
	[sflag:s22] =	ssyncset.done $0x0  }
0xa0: {  	[sflag:s22] =	ssyncadd.s32 s4;
	_ =	sdelay $0x1  }
0xa1: {  	s23 =	simm.s32 $0x1B8B  }
0xa2: {  	_ =	swait.ge [sflag:s23], $0x1  }
0xa3: {  	[sflag:s23] =	ssyncset.done $0x0  }
0xa4: {  	s25 =	simm.s32 $0x1B8E;
	s24 =	sld [smem:$0x3FFE];
	[sflag:s23] =	ssyncadd.s32 $0xFFFFFFFF  }
0xa5: {  	s26 =	simm.s32 $execute0_lowered;
	[smem:$0x3FD2] =	sst s25  }
0xa6: {  	s5 =	sshll.u32 s26, $0x1;
	_ =	strace $0x80000046;
	[dreg:$0x1] =	wrdreg $0xFFFFFFFF  }
0xa7: {  	s28 =	simm.s32 $_size_execute0_lowered;
	s3 =	sadd.s32 s3, s5;
	[dreg:$0x0] =	wrdreg $0x0  }
0xa8: {  	s5 =	sshll.u32 s28, $0x1;
	[dreg:$0x2] =	wrdreg s3  }
0xa9: {  	[dreg:$0x3] =	wrdreg s5  }
0xaa: {  	[dreg:$0x4] =	wrdreg $0xC0  }
0xab: {  	_ =	task [dreg:s7], $0x5FFFF  }
0xac: {  	[dreg:$0x1] =	wrdreg $0xFFFFFFFF  }
0xad: {  	[dreg:$0x0] =	wrdreg $0x60  }
0xae: {  	[dreg:$0x2] =	wrdreg s2  }
0xaf: {  	[dreg:$0x3] =	wrdreg s24  }
0xb0: {  	[dreg:$0x4] =	wrdreg $0x78000  }
0xb1: {  	[dreg:$0x5] =	wrdreg $0x9  }
0xb2: {  	_ =	task.clear_ibuf [dreg:s7], $0x6FFFF;
	_ =	strace $0x90000046  }
0xb3: {  	s29 =	simm.s32 $0x9;
	_ =	strace $0x80000048  }
0xb4: {  	_ =	swait.ge [sflag:s29], $0x1  }
0xb5: {  	[sflag:s29] =	ssyncadd.s32 $0xFFFFFFFF  }
0xb6: {  	_ =	strace $0x90000048  }
0xb7: {  	_ =	sfence  }
0xb8: {  	s30 =	sld [smem:$0x0];
	_ =	sdelay $0x2  }
0xb9: {  	s31 =	sshll.u32 s1, $0xD;
	s1 =	sshrl.u32 s1, $0x2  }
0xba: {  	s3 =	sand.u32 $0x4000, s31;
	s1 =	sadd.s32 s1, s30  }
0xbb: {  	s0 =	sor.u32 s3, s0;
	s1 =	sshll.u32 s1, $0x11  }
0xbc: {  	s0 =	sor.u32 s1, s0  }
0xbd: {  	s0 =	sadd.s32 $0x8F2B, s0  }
0xbe: {  	[sflag:s0] =	ssyncadd.remote.s32 $0x1  }
0xbf: {  	_ =	sfence.sel $0xFFFF  }
0xc0: {  	[dreg:$0x0] =	wrdreg $0xFFFFFFFF;
	(pc) =	sbr.abs _section_cstart, $3  }
0xc1: {  	[dreg:$0x1] =	wrdreg $0xFFFFFFFF  }
0xc2: {  	_ =	task.clear_ibuf [dreg:s7], $0x2FFFF;
	_ =	strace $0x9FFFFFFF  }
0xc3: {  	(tm) =	ssettm $0x7FFFFFFF  }
tec
execute0_lowered:
.L_overlay_start_1:
0x0: {  	(tag) =	ssettag $0x1  }
0x1: {  	s3 =	rddreg [dreg:$0x0]  }
0x2: {  	s1 =	srdreg.scid;
	s4 =	rddreg [dreg:$0x1]  }
0x3: {  	s0 =	stileid.u32;
	s7 =	rddreg [dreg:$0x2];
	s2 =	simm.s32 $0x0  }
0x4: {  	s12 =	simm.s32 $0x0;
	s5 =	sand.u32 $0x1, s1;
	s6 =	smul.u32 $0x280, s0  }
0x5: {  	s9 =	sshll.u32 s0, $0x1;
	s1 =	rddreg [dreg:$0x3];
	s10 =	smul.u32 $0xA000, s0  }
0x6: {  	[smem:$0x7FF] =	sst s2;
	s8 =	smul.u32 $0x2800, s5;
	s9 =	sor.u32 s5, s9  }
0x7: {  	s5 =	ssub.s32 $0x2, s5;
	_ =	strace $0x80000047;
	s9 =	smul.u32 $0x500, s9  }
0x8: {  	s30 =	sshrl.u32 s5, $0x1;
	s31 =	sshrl.u32 s10, $0x2;
	s10 =	simm.s32 $0x280  }
0x9: {  	s8 =	sadd.s32 s6, s8;
	s11 =	ssub.s32 s5, s30;
	s5 =	sadd.s32 s6, s7  }
0xa: {  	s8 =	sshrl.u32 s8, $0x3;
	s3 =	sadd.s32 s3, s9;
	s9 =	simm.s32 $0x2800  }
0xb: {  	s8 =	sadd.s32 s8, s4;
	s4 =	sadd.s32 s31, s7;
	s7 =	smax.u32 s11, $0x1  }
0xc: {  	v0 =	vimm.f32 $0.0e+00;
	v1 =	vimm.f32 $1.000000000e+00;
	s11 =	simm.s32 $0x5000;
	s6 =	sadd.s32 $0xE00, s8;
	s8 =	simm.s32 $0x1  }
.LBB2_1:
0xd: {  	[tilespmem:s2], [sflag:$0x1] =	stream.linear.gather [hbm4b:s3+s2], $0x2800, $0x38;
	[tilespmem:$0xA000] =	vst v63  }
0xe: {  	_ =	swait.ge [sflag:s8], $0x2800  }
0xf: {  	[sflag:s8] =	ssyncset.done $0x0  }
0x10: {  	s13 =	simm.s32 $0x0;
	[sflag:s8] =	ssyncadd.s32 $0xFFFFD800  }
.LBB2_2:
0x11: {  	p0 =	sne.s32 s13, $0x9FC0  }
.Ltmp0:
0x12: {  	_ = 	snop;
	(pc) =	sbr.rel @p0 .LBB2_2-.Ltmp0, $3  }
0x13: {  	_ =	sdelay $0x1  }
0x14: {  	s14 =	sshra.s32 s13, $0x2  }
0x15: {  	s13 =	sadd.s32 $0x40, s13;
	[tilespmem:s14+$0x2800] =	vst v0  }
0x16: {  	s14 =	simm.s32 $0x0;
	s13 =	simm.s32 $0x40  }
.LBB2_4:
0x17: {  	p0 =	sne.s32 s13, $0x9FC0;
	v2 =	vld [tilespmem:s14+$0x0];
	_ =	sdelay $0x3  }
.Ltmp1:
0x18: {  	(pc) =	sbr.rel @p0 .LBB2_4-.Ltmp1, $2  }
0x19: {  	_ =	sdelay $0x2  }
0x1a: {  	s14 =	sshra.s32 s13, $0x2;
	s13 =	sadd.s32 $0x40, s13;
	[tilespmem:v2+s9+$0x0] =	vst.idx.add.f32.msk $0xffff, v1  }
0x1b: {  	v2 =	vld [tilespmem:s14+$0x0];
	_ =	sdelay $0x7  }
0x1c: {  	[tilespmem:v2+s9+$0x0] =	vst.idx.add.f32.msk $0xffff, v1  }
0x1d: {  	[spmem:s4] =	stream.linear.scatter [tilespmem:s9], [sflag:$0x1], $0x2800, $0x38;
	[tilespmem:$0xA000] =	vst v63  }
0x1e: {  	_ =	swait.ge [sflag:s8], $0x2800  }
0x1f: {  	[sflag:s8] =	ssyncset.done $0x0  }
0x20: {  	[sflag:s8] =	ssyncadd.s32 $0xFFFFD800  }
0x21: {  	[bflag:$0x0] =	sbarrier.arrive $0xFFFF  }
0x22: {  	[tilespmem:s11], [sflag:$0x1] =	stream.strided.gather [spmem:s5], $0x2800, s9, s10, $0x38;
	[tilespmem:$0xA000] =	vst v63  }
0x23: {  	_ =	swait.ge [sflag:s8], $0x2800  }
0x24: {  	[sflag:s8] =	ssyncset.done $0x0  }
0x25: {  	s13 =	simm.s32 $0xFFFFFD80;
	[sflag:s8] =	ssyncadd.s32 $0xFFFFD800  }
0x26: {  	s14 =	simm.s32 $0xFFFFF640;
	v2 =	vld [tilespmem:s13+$0x5500]  }
.LBB2_6:
0x27: {  	p0 =	sne.s32 s14, $0xFFFFFFC0;
	v3 =	vld [tilespmem:s13+$0x5280];
	_ =	sdelay $0x1  }
0x28: {  	v4 =	vld [tilespmem:s13+$0x5780];
	_ =	sdelay $0x1  }
0x29: {  	v5 =	vld [tilespmem:s13+$0x5A00]  }
0x2a: {  	v2 =	vadd.f32 v2, v3  }
0x2b: {  	v3 =	vld [tilespmem:s13+$0x5C80]  }
0x2c: {  	v2 =	vadd.f32 v4, v2  }
0x2d: {  	v4 =	vld [tilespmem:s13+$0x5F00]  }
0x2e: {  	v2 =	vadd.f32 v5, v2  }
0x2f: {  	v5 =	vld [tilespmem:s13+$0x6180]  }
0x30: {  	v2 =	vadd.f32 v3, v2  }
0x31: {  	v3 =	vld [tilespmem:s13+$0x6400]  }
0x32: {  	v2 =	vadd.f32 v4, v2  }
0x33: {  	v4 =	vld [tilespmem:s13+$0x6680]  }
0x34: {  	v2 =	vadd.f32 v5, v2  }
0x35: {  	v5 =	vld [tilespmem:s13+$0x6900]  }
0x36: {  	v2 =	vadd.f32 v3, v2  }
0x37: {  	v3 =	vld [tilespmem:s13+$0x6B80]  }
0x38: {  	v2 =	vadd.f32 v4, v2  }
0x39: {  	v4 =	vld [tilespmem:s13+$0x6E00]  }
0x3a: {  	v2 =	vadd.f32 v5, v2  }
0x3b: {  	v5 =	vld [tilespmem:s13+$0x7080]  }
0x3c: {  	v2 =	vadd.f32 v3, v2  }
0x3d: {  	v3 =	vld [tilespmem:s13+$0x7300]  }
0x3e: {  	v2 =	vadd.f32 v4, v2  }
0x3f: {  	v4 =	vld [tilespmem:s13+$0x7580]  }
0x40: {  	v2 =	vadd.f32 v5, v2  }
0x41: {  	v5 =	vld [tilespmem:s13+$0x7800]  }
0x42: {  	v2 =	vadd.f32 v3, v2;
	_ =	sdelay $0x1  }
.Ltmp2:
0x43: {  	v2 =	vadd.f32 v4, v2;
	(pc) =	sbr.rel @p0 .LBB2_6-.Ltmp2, $4  }
0x44: {  	_ = 	snop  }
0x45: {  	v3 =	vadd.f32 v5, v2  }
0x46: {  	s15 =	sshra.s32 s14, $0x2  }
0x47: {  	s14 =	sadd.s32 $0x40, s14;
	v2 =	vld [tilespmem:s15+$0x5500];
	[tilespmem:s13+$0x5280] =	vst v3;
	s13 =	smov.u32 s15  }
0x48: {  	v3 =	vld [tilespmem:s13+$0x5280];
	_ =	sdelay $0x1  }
0x49: {  	v4 =	vld [tilespmem:s13+$0x5780];
	_ =	sdelay $0x1  }
0x4a: {  	v5 =	vld [tilespmem:s13+$0x5A00]  }
0x4b: {  	v2 =	vadd.f32 v2, v3  }
0x4c: {  	v3 =	vld [tilespmem:s13+$0x5C80]  }
0x4d: {  	v2 =	vadd.f32 v4, v2  }
0x4e: {  	v56 =	vld [tilespmem:s13+$0x5F00]  }
0x4f: {  	v2 =	vadd.f32 v5, v2  }
0x50: {  	v57 =	vld [tilespmem:s13+$0x6180]  }
0x51: {  	v2 =	vadd.f32 v3, v2  }
0x52: {  	v3 =	vld [tilespmem:s13+$0x6400]  }
0x53: {  	v2 =	vadd.f32 v56, v2  }
0x54: {  	v58 =	vld [tilespmem:s13+$0x6680]  }
0x55: {  	v2 =	vadd.f32 v57, v2  }
0x56: {  	v59 =	vld [tilespmem:s13+$0x6900]  }
0x57: {  	v2 =	vadd.f32 v3, v2  }
0x58: {  	v3 =	vld [tilespmem:s13+$0x6B80]  }
0x59: {  	v2 =	vadd.f32 v58, v2  }
0x5a: {  	v60 =	vld [tilespmem:s13+$0x6E00]  }
0x5b: {  	v2 =	vadd.f32 v59, v2  }
0x5c: {  	v61 =	vld [tilespmem:s13+$0x7080]  }
0x5d: {  	v2 =	vadd.f32 v3, v2  }
0x5e: {  	v3 =	vld [tilespmem:s13+$0x7300]  }
0x5f: {  	v2 =	vadd.f32 v60, v2  }
0x60: {  	v62 =	vld [tilespmem:s13+$0x7580]  }
0x61: {  	v2 =	vadd.f32 v61, v2  }
0x62: {  	v63 =	vld [tilespmem:s13+$0x7800]  }
0x63: {  	v2 =	vadd.f32 v3, v2;
	_ =	sdelay $0x1  }
0x64: {  	v2 =	vadd.f32 v62, v2;
	_ =	sdelay $0x1  }
0x65: {  	s12 =	sadd.s32 $0x1, s12;
	v2 =	vadd.f32 v63, v2  }
0x66: {  	p0 =	sne.s32 s12, s7  }
.Ltmp3:
0x67: {  	[tilespmem:s13+$0x5280] =	vst v2;
	(pc) =	sbr.rel @p0 .LBB2_1-.Ltmp3, $4  }
0x68: {  	[hbm4b:s6+s2] =	stream.linear.scatter [tilespmem:s11], [sflag:$0x1], $0x280, $0x38;
	[tilespmem:$0xA000] =	vst v63  }
0x69: {  	_ =	swait.ge [sflag:s8], $0x280  }
0x6a: {  	[sflag:s8] =	ssyncset.done $0x0  }
0x6b: {  	[sflag:s8] =	ssyncadd.s32 $0xFFFFFD80  }
0x6c: {  	_ =	sfence.sel $0x180000  }
0x6d: {  	[bflag:$0x0] =	sbarrier.arrive $0xFFFF  }
0x6e: {  	p0 =	sne.s32 s0, $0x0;
	_ =	strace $0x90000047  }
0x6f: {  	s0 =	sadd.s32 @!p0 $0x100000, s1;
	[bflag:$0x2] =	sbarrier.arrive $0xFFFF  }
0x70: {  	[sflag:s0] =	ssyncadd.tile.s32 @!p0 $0x1;
	_ =	shalt  }
.Lfunc_end2:
_tile_overlayer_lowered:
.L_overlay_start_2:
0x71: {  	(tag) =	ssettag $0x2  }
0x72: {  	s0 =	rddreg [dreg:$0x0];
	s2 =	stileid.u32  }
0x73: {  	s1 =	rddreg [dreg:$0x1];
	p0 =	sne.s32 s2, $0x0  }
0x74: {  	s3 =	rddreg [dreg:$0x2];
	[bflag:$0x3] =	sbarrier.arrive $0xFFFF;
	s2 =	simm.s32 @!p0 $0x1C01  }
0x75: {  	[timem:s3], [sflag:s2] =	dma.local @!p0 [hbm:s0], s1  }
0x76: {  	s0 =	simm.s32 @!p0 $0x1  }
0x77: {  	_ =	swait.ge @!p0 [sflag:s0], s1  }
0x78: {  	s1 =	ssub.s32 @!p0 $0x0, s1;
	[sflag:s0] =	ssyncset.done @!p0 $0x0  }
0x79: {  	[sflag:s0] =	ssyncadd.s32 @!p0 s1  }
0x7a: {  	[bflag:$0x3] =	sbarrier.arrive $0xFFFF  }
0x7b: {  	_ =	shalt  }

</sc_bundles>
